<compile_context>
chip_gen: v7x
topology: tpu7x:2x2x1
jax: 0.10.2.dev20260603
libtpu: 0.0.44.dev20260713+nightly
codegen_flags: <defaults>
</compile_context>

<pallas_src>
import functools

import jax
import jax.numpy as jnp
from jax import lax
from jax.experimental import pallas as pl
from jax.experimental.pallas import tpu as pltpu
from jax.experimental.pallas import tpu_sc as plsc

B = 1024
NUM_TYPES = 100000
TYPE_EMB_DIM = 64
PRODUCT_EMB_DIM = 128
FEATURE_DIM = 128
HIDDEN_DIM = 128
K = 8
NUM_NEIGHBORS = 10

T_BLK = 2048
NT = (NUM_TYPES + T_BLK - 1) // T_BLK
NS_SLICES = T_BLK // 128
GRP = 16
_TAIL_VALID = NUM_TYPES - (NT - 1) * T_BLK
_TAIL_LO = (_TAIL_VALID // 128) * 128

NEG = -3.0e38
BIGI = 2**30


@functools.lru_cache(maxsize=None)
def _make_sc_gather(V, D, N):
  info = plsc.get_sparse_core_info()
  NC, NS = info.num_cores, info.num_subcores
  NW = NC * NS
  assert D % 128 == 0 and N % (8 * NW) == 0
  n_per_w = N // NW
  mesh = plsc.VectorSubcoreMesh(core_axis_name="c", subcore_axis_name="s")

  @functools.partial(
      pl.kernel,
      mesh=mesh,
      out_type=jax.ShapeDtypeStruct((N, D), jnp.float32),
      scratch_types=[
          pltpu.VMEM((n_per_w,), jnp.int32),
          pltpu.VMEM((n_per_w, D), jnp.float32),
          pltpu.SemaphoreType.DMA,
      ],
  )
  def gather_k(table_hbm, idx_hbm, out_hbm, idx_v, rows_v, sem):
    wid = lax.axis_index("s") * NC + lax.axis_index("c")
    base = wid * n_per_w
    pltpu.sync_copy(idx_hbm.at[pl.ds(base, n_per_w)], idx_v)
    pltpu.async_copy(table_hbm.at[idx_v], rows_v, sem).wait()
    pltpu.sync_copy(rows_v, out_hbm.at[pl.ds(base, n_per_w)])

  return gather_k


def _prep_body(qf, nbf, qtr, pq, w_enc, b_enc, w_nb, b_nb,
               w1t, w1b, b1, w2, b2, wp_q, b_proj, cb_out, qp_out):
  q = jax.nn.relu(jnp.dot(qf[...], w_enc[...],
                          preferred_element_type=jnp.float32) + b_enc[...])
  acc = jax.nn.relu(jnp.dot(nbf[0], w_nb[...],
                            preferred_element_type=jnp.float32) + b_nb[...])
  for j in range(1, NUM_NEIGHBORS):
    acc = acc + jax.nn.relu(jnp.dot(nbf[j], w_nb[...],
                                    preferred_element_type=jnp.float32)
                            + b_nb[...])
  q_emb = q + acc * jnp.float32(1.0 / NUM_NEIGHBORS)
  qp_out[...] = jnp.dot(q_emb, wp_q[...],
                        preferred_element_type=jnp.float32) + b_proj[...]
  a = jnp.dot(qtr[...], w1t[...], preferred_element_type=jnp.float32)
  bb = jnp.dot(qtr[...], w1b[...], preferred_element_type=jnp.float32)
  h = jax.nn.relu(a + pq[...] * (bb - a) + b1[...])
  cb_out[...] = jnp.tanh(jnp.dot(h, w2[...],
                                 preferred_element_type=jnp.float32) + b2[...])


def _extract8(vals, idx):
  out_v, out_i = [], []
  for _ in range(K):
    m = jnp.max(vals, axis=1, keepdims=True)
    hit = vals == m
    gi = jnp.min(jnp.where(hit, idx, BIGI), axis=1, keepdims=True)
    out_v.append(m)
    out_i.append(gi)
    vals = jnp.where(idx == gi, NEG, vals)
  return jnp.concatenate(out_v, axis=1), jnp.concatenate(out_i, axis=1)


def _simtopk_body(cb_ref, tbl_ref, vals_out, idx_out, sims_s, sv, si):
  t = pl.program_id(0)

  @pl.when(t == 0)
  def _init():
    sv[...] = jnp.full(sv.shape, NEG, jnp.float32)
    si[...] = jnp.full(si.shape, BIGI, jnp.int32)

  sims_s[...] = lax.dot_general(cb_ref[...], tbl_ref[...],
                                (((1,), (1,)), ((), ())),
                                preferred_element_type=jnp.float32)

  @pl.when(t == NT - 1)
  def _mask_tail():
    reg = sims_s[:, _TAIL_LO:T_BLK]
    loc = lax.broadcasted_iota(jnp.int32, reg.shape, 1)
    sims_s[:, _TAIL_LO:T_BLK] = jnp.where(loc < _TAIL_VALID - _TAIL_LO,
                                          reg, NEG)

  iota = lax.broadcasted_iota(jnp.int32, (GRP, 128), 1)
  base_t = t * T_BLK

  def body(g):
    rows = pl.ds(g * GRP, GRP)
    Rv = [sv[rows, pl.ds(k * 128, 128)] for k in range(K)]
    Ri = [si[rows, pl.ds(k * 128, 128)] for k in range(K)]
    for s in range(NS_SLICES):
      x = sims_s[rows, pl.ds(s * 128, 128)]
      xi = iota + (base_t + s * 128)
      for k in range(K):
        c = x > Rv[k]
        nv = jnp.maximum(x, Rv[k])
        x = jnp.minimum(x, Rv[k])
        ni = jnp.where(c, xi, Ri[k])
        xi = jnp.where(c, Ri[k], xi)
        Rv[k] = nv
        Ri[k] = ni
    for k in range(K):
      sv[rows, pl.ds(k * 128, 128)] = Rv[k]
      si[rows, pl.ds(k * 128, 128)] = Ri[k]
    return g + 1

  lax.while_loop(lambda g: g < B // GRP, body, 0)

  @pl.when(t == NT - 1)
  def _emit():
    nv, ni = _extract8(sv[...], si[...])
    vals_out[...] = nv
    idx_out[...] = ni


def _proj_body(qp_ref, comp_ref, pk_ref, wpt_t, wpt_b, out_ref):
  a = jnp.dot(comp_ref[...], wpt_t[...], preferred_element_type=jnp.float32)
  bb = jnp.dot(comp_ref[...], wpt_b[...], preferred_element_type=jnp.float32)
  out_ref[...] = jnp.tanh(qp_ref[...] + a + pk_ref[...] * (bb - a))


def _pad_top_bot(w):
  z = jnp.zeros_like(w)
  return jnp.concatenate([w, z], axis=0), jnp.concatenate([z, w], axis=0)


def kernel(query_features, query_neighbor_features, query_types,
           W_enc, b_enc, W_nb, b_nb, W1, b1, W2, b2, W_proj, b_proj,
           query_type_table, comp_type_table):
  f32 = jnp.float32
  qtypes = query_types.astype(jnp.int32)

  qtable2 = query_type_table.reshape(NUM_TYPES // 2, 2 * TYPE_EMB_DIM)
  ctable2 = comp_type_table.reshape(NUM_TYPES // 2, 2 * TYPE_EMB_DIM)

  qt_rows = _make_sc_gather(NUM_TYPES // 2, 2 * TYPE_EMB_DIM, B)(
      qtable2, qtypes >> 1)
  p_q = (qtypes & 1).astype(f32).reshape(B, 1)

  nbf_t = query_neighbor_features.transpose(1, 0, 2)
  wp_q = W_proj[:PRODUCT_EMB_DIM]
  wp_t = W_proj[PRODUCT_EMB_DIM:]
  w1_t, w1_b = _pad_top_bot(W1)
  wpt_t, wpt_b = _pad_top_bot(wp_t)

  comp_base, qp = pl.pallas_call(
      _prep_body,
      out_shape=(jax.ShapeDtypeStruct((B, TYPE_EMB_DIM), f32),
                 jax.ShapeDtypeStruct((B, PRODUCT_EMB_DIM), f32)),
  )(query_features, nbf_t, qt_rows, p_q,
    W_enc, b_enc.reshape(1, -1), W_nb, b_nb.reshape(1, -1),
    w1_t, w1_b, b1.reshape(1, -1), W2, b2.reshape(1, -1),
    wp_q, b_proj.reshape(1, -1))

  topk_vals, topk_idx = pl.pallas_call(
      _simtopk_body,
      grid=(NT,),
      in_specs=[
          pl.BlockSpec((B, TYPE_EMB_DIM), lambda t: (0, 0)),
          pl.BlockSpec((T_BLK, TYPE_EMB_DIM), lambda t: (t, 0)),
      ],
      out_specs=[
          pl.BlockSpec((B, K), lambda t: (0, 0)),
          pl.BlockSpec((B, K), lambda t: (0, 0)),
      ],
      out_shape=(jax.ShapeDtypeStruct((B, K), f32),
                 jax.ShapeDtypeStruct((B, K), jnp.int32)),
      scratch_shapes=[
          pltpu.VMEM((B, T_BLK), f32),
          pltpu.VMEM((B, K * 128), f32),
          pltpu.VMEM((B, K * 128), jnp.int32),
      ],
  )(comp_base, comp_type_table)

  idx_km = topk_idx.T.reshape(B * K)
  comp_km = _make_sc_gather(NUM_TYPES // 2, 2 * TYPE_EMB_DIM, B * K)(
      ctable2, idx_km >> 1)
  p_km = (idx_km & 1).astype(f32).reshape(B * K, 1)

  out_km = pl.pallas_call(
      _proj_body,
      grid=(K,),
      in_specs=[
          pl.BlockSpec((B, PRODUCT_EMB_DIM), lambda k: (0, 0)),
          pl.BlockSpec((B, 2 * TYPE_EMB_DIM), lambda k: (k, 0)),
          pl.BlockSpec((B, 1), lambda k: (k, 0)),
          pl.BlockSpec((2 * TYPE_EMB_DIM, PRODUCT_EMB_DIM), lambda k: (0, 0)),
          pl.BlockSpec((2 * TYPE_EMB_DIM, PRODUCT_EMB_DIM), lambda k: (0, 0)),
      ],
      out_specs=pl.BlockSpec((B, PRODUCT_EMB_DIM), lambda k: (k, 0)),
      out_shape=jax.ShapeDtypeStruct((B * K, PRODUCT_EMB_DIM), f32),
  )(qp, comp_km, p_km, wpt_t, wpt_b)

  projected = out_km.reshape(K, B, PRODUCT_EMB_DIM).transpose(1, 0, 2)
  return projected, topk_idx, topk_vals

# --- scband reference (transcript-rebuilt; emitter-appended) ---
"""Pipeline reference for scband-pcompanion-79139067396248 (READ-ONLY COPY).

The authoritative reference and input builder live on the scoring server;
editing this copy changes nothing except your own understanding.
"""

import jax, jax.numpy as jnp
import numpy as np

B = 1024
NUM_TYPES = 100000
TYPE_EMB_DIM = 64
PRODUCT_EMB_DIM = 128
FEATURE_DIM = 128
HIDDEN_DIM = 128
NUM_COMP_TYPES = 8
NUM_NEIGHBORS = 10


def setup_inputs(seed: int = 0) -> dict:
    key = jax.random.key(seed)
    ks = jax.random.split(key, 16)
    s = 0.05
    return {
        'query_features': jax.random.normal(ks[0], (B, FEATURE_DIM), dtype=jnp.float32),
        'query_neighbor_features': jax.random.normal(ks[1], (B, NUM_NEIGHBORS, FEATURE_DIM), dtype=jnp.float32),
        'query_types': jax.random.randint(ks[2], (B,), 0, NUM_TYPES),
        # Product2Vec params (feature encoder + neighbor aggregator)
        'W_enc': jax.random.normal(ks[3], (FEATURE_DIM, PRODUCT_EMB_DIM), dtype=jnp.float32) * s,
        'b_enc': jnp.zeros((PRODUCT_EMB_DIM,), dtype=jnp.float32),
        'W_nb': jax.random.normal(ks[4], (FEATURE_DIM, PRODUCT_EMB_DIM), dtype=jnp.float32) * s,
        'b_nb': jnp.zeros((PRODUCT_EMB_DIM,), dtype=jnp.float32),
        # ComplementaryTypeTransition MLP params
        'W1': jax.random.normal(ks[5], (TYPE_EMB_DIM, HIDDEN_DIM), dtype=jnp.float32) * s,
        'b1': jnp.zeros((HIDDEN_DIM,), dtype=jnp.float32),
        'W2': jax.random.normal(ks[6], (HIDDEN_DIM, TYPE_EMB_DIM), dtype=jnp.float32) * s,
        'b2': jnp.zeros((TYPE_EMB_DIM,), dtype=jnp.float32),
        # ComplementaryItemPrediction params (type-conditioned projection)
        'W_proj': jax.random.normal(ks[7], (PRODUCT_EMB_DIM + TYPE_EMB_DIM, PRODUCT_EMB_DIM), dtype=jnp.float32) * s,
        'b_proj': jnp.zeros((PRODUCT_EMB_DIM,), dtype=jnp.float32),
        # Embedding tables
        'query_type_table': jax.random.normal(ks[8], (NUM_TYPES, TYPE_EMB_DIM), dtype=jnp.float32) * s,
        'comp_type_table': jax.random.normal(ks[9], (NUM_TYPES, TYPE_EMB_DIM), dtype=jnp.float32) * s,
    }


def reference(query_features, query_neighbor_features, query_types,
              W_enc, b_enc, W_nb, b_nb, W1, b1, W2, b2, W_proj, b_proj,
              query_type_table, comp_type_table):
    # Product2Vec: encode query features + mean-aggregate encoded neighbor features
    q_emb = jax.nn.relu(query_features @ W_enc + b_enc)
    nb_emb = jax.nn.relu(query_neighbor_features @ W_nb + b_nb)
    q_emb = q_emb + jnp.mean(nb_emb, axis=1)
    # query type embedding lookup (gather)
    qt_emb = jnp.take(query_type_table, query_types, axis=0)
    # ComplementaryTypeTransition: MLP in type-embedding space
    comp_base = jnp.tanh(jax.nn.relu(qt_emb @ W1 + b1) @ W2 + b2)
    # similarities against full complementary type table, then top-k masking
    similarities = comp_base @ comp_type_table.T  # [B, NUM_TYPES]
    topk_vals, topk_idx = jax.lax.top_k(similarities, NUM_COMP_TYPES)
    # gather top-k complementary type embeddings
    comp_type_emb = jnp.take(comp_type_table, topk_idx, axis=0)  # [B, K, TYPE_EMB_DIM]
    # ComplementaryItemPrediction: type-conditioned projection of query embedding
    q_b = jnp.broadcast_to(q_emb[:, None, :], (q_emb.shape[0], NUM_COMP_TYPES, q_emb.shape[1]))
    cat = jnp.concatenate([q_b, comp_type_emb], axis=-1)
    projected = jnp.tanh(cat @ W_proj + b_proj)  # [B, K, PRODUCT_EMB_DIM]
    return projected, topk_idx, topk_vals

if __name__ == "__main__":
    import jax
    _d = setup_inputs()
    print(jax.jit(kernel)(*tuple(_d.values())))

</pallas_src>

<mosaic_0001>
#map = affine_map<(d0, d1) -> (0, 0)>
#map1 = affine_map<(d0, d1) -> (0)>
module attributes {stable_mosaic.version = 14 : i64} {
  func.func @gather_k(%arg0: i32, %arg1: i32, %arg2: memref<50000x128xf32, #tpu.memory_space<hbm>>, %arg3: memref<1024xi32, #tpu.memory_space<hbm>>, %arg4: memref<1024x128xf32, #tpu.memory_space<hbm>>, %arg5: memref<32xi32, #tpu.memory_space<vmem>>, %arg6: memref<32x128xf32, #tpu.memory_space<vmem>>, %arg7: memref<!tpu.dma_semaphore, #tpu.memory_space<semaphore_mem>>) attributes {dimension_semantics = [#tpu.dimension_semantics<core_parallel>, #tpu.dimension_semantics<subcore_parallel>], iteration_bounds = array<i64: 2, 16>, scalar_prefetch = 0 : i64, scratch_operands = 3 : i64, tpu.core_type = #tpu.core_type<sc_vector_subcore>, window_params = [{transform_indices = #map}, {transform_indices = #map1}, {transform_indices = #map}]} {
    %mul3A = arith.constant 2 : i32
    %mul3A_0 = arith.muli %arg1, %mul3A : i32
    %add3A = arith.addi %mul3A_0, %arg0 : i32
    %mul3A_1 = arith.constant 32 : i32
    %mul3A_2 = arith.muli %add3A, %mul3A_1 : i32
    "tpu.region"() ({
      %run_scoped3A = tpu.sem_alloc : memref<!tpu.dma_semaphore, #tpu.memory_space<semaphore_mem>>
      %dma_start3A_7 = tpu.memref_slice %arg3[%mul3A_2] : memref<1024xi32, #tpu.memory_space<hbm>> -> memref<32xi32, #tpu.memory_space<hbm>>
      %dma_start3A_8 = tpu.memref_slice %arg3[%mul3A_2] : memref<1024xi32, #tpu.memory_space<hbm>> -> memref<32xi32, #tpu.memory_space<hbm>>
      tpu.enqueue_dma source(%dma_start3A_8 : memref<32xi32, #tpu.memory_space<hbm>>) target(%arg5 : memref<32xi32, #tpu.memory_space<vmem>>) target_semaphore(%run_scoped3A : memref<!tpu.dma_semaphore, #tpu.memory_space<semaphore_mem>>)
      %dma_wait3A_9 = tpu.memref_slice %arg3[%mul3A_2] : memref<1024xi32, #tpu.memory_space<hbm>> -> memref<32xi32, #tpu.memory_space<hbm>>
      %dma_wait3A_10 = tpu.memref_slice %arg3[%mul3A_2] : memref<1024xi32, #tpu.memory_space<hbm>> -> memref<32xi32, #tpu.memory_space<hbm>>
      tpu.wait_dma2 semaphore(%run_scoped3A : memref<!tpu.dma_semaphore, #tpu.memory_space<semaphore_mem>>) src(%dma_wait3A_10 : memref<32xi32, #tpu.memory_space<hbm>>) dst(%arg5 : memref<32xi32, #tpu.memory_space<vmem>>)
      tpu.yield
    }) : () -> ()
    %dma_start3A = arith.constant 0 : i32
    %dma_start3A_3 = arith.constant 0 : i32
    %dma_start3A_4 = tpu.memref_slice %arg2[%dma_start3A, %dma_start3A_3] : memref<50000x128xf32, #tpu.memory_space<hbm>> -> memref<50000x128xf32, #tpu.memory_space<hbm>>
    tpu.enqueue_indirect_dma source(%dma_start3A_4 : memref<50000x128xf32, #tpu.memory_space<hbm>>) target(%arg6 : memref<32x128xf32, #tpu.memory_space<vmem>>) offsets(%arg5 : memref<32xi32, #tpu.memory_space<vmem>>) semaphore(%arg7 : memref<!tpu.dma_semaphore, #tpu.memory_space<semaphore_mem>>)
    %dma_wait3A = arith.constant 0 : i32
    %dma_wait3A_5 = arith.constant 0 : i32
    %dma_wait3A_6 = tpu.memref_slice %arg2[%dma_wait3A, %dma_wait3A_5] : memref<50000x128xf32, #tpu.memory_space<hbm>> -> memref<50000x128xf32, #tpu.memory_space<hbm>>
    tpu.wait_indirect_dma semaphore(%arg7 : memref<!tpu.dma_semaphore, #tpu.memory_space<semaphore_mem>>) src(%dma_wait3A_6 : memref<50000x128xf32, #tpu.memory_space<hbm>>) dst(%arg6 : memref<32x128xf32, #tpu.memory_space<vmem>>)
    "tpu.region"() ({
      %run_scoped3A = tpu.sem_alloc : memref<!tpu.dma_semaphore, #tpu.memory_space<semaphore_mem>>
      %dma_start3A_7 = arith.constant 0 : i32
      %dma_start3A_8 = tpu.memref_slice %arg4[%mul3A_2, %dma_start3A_7] : memref<1024x128xf32, #tpu.memory_space<hbm>> -> memref<32x128xf32, #tpu.memory_space<hbm>>
      %dma_start3A_9 = arith.constant 0 : i32
      %dma_start3A_10 = tpu.memref_slice %arg4[%mul3A_2, %dma_start3A_9] : memref<1024x128xf32, #tpu.memory_space<hbm>> -> memref<32x128xf32, #tpu.memory_space<hbm>>
      tpu.enqueue_dma source(%arg6 : memref<32x128xf32, #tpu.memory_space<vmem>>) target(%dma_start3A_10 : memref<32x128xf32, #tpu.memory_space<hbm>>) target_semaphore(%run_scoped3A : memref<!tpu.dma_semaphore, #tpu.memory_space<semaphore_mem>>)
      %dma_wait3A_11 = arith.constant 0 : i32
      %dma_wait3A_12 = tpu.memref_slice %arg4[%mul3A_2, %dma_wait3A_11] : memref<1024x128xf32, #tpu.memory_space<hbm>> -> memref<32x128xf32, #tpu.memory_space<hbm>>
      %dma_wait3A_13 = arith.constant 0 : i32
      %dma_wait3A_14 = tpu.memref_slice %arg4[%mul3A_2, %dma_wait3A_13] : memref<1024x128xf32, #tpu.memory_space<hbm>> -> memref<32x128xf32, #tpu.memory_space<hbm>>
      tpu.wait_dma2 semaphore(%run_scoped3A : memref<!tpu.dma_semaphore, #tpu.memory_space<semaphore_mem>>) src(%arg6 : memref<32x128xf32, #tpu.memory_space<vmem>>) dst(%dma_wait3A_14 : memref<32x128xf32, #tpu.memory_space<hbm>>)
      tpu.yield
    }) : () -> ()
    return
  }
}

#map = affine_map<(d0, d1) -> (0, 0)>
#map1 = affine_map<(d0, d1) -> (0)>
module attributes {stable_mosaic.version = 14 : i64} {
  func.func @gather_k(%arg0: i32, %arg1: i32, %arg2: memref<50000x128xf32, #tpu.memory_space<hbm>>, %arg3: memref<8192xi32, #tpu.memory_space<hbm>>, %arg4: memref<8192x128xf32, #tpu.memory_space<hbm>>, %arg5: memref<256xi32, #tpu.memory_space<vmem>>, %arg6: memref<256x128xf32, #tpu.memory_space<vmem>>, %arg7: memref<!tpu.dma_semaphore, #tpu.memory_space<semaphore_mem>>) attributes {dimension_semantics = [#tpu.dimension_semantics<core_parallel>, #tpu.dimension_semantics<subcore_parallel>], iteration_bounds = array<i64: 2, 16>, scalar_prefetch = 0 : i64, scratch_operands = 3 : i64, tpu.core_type = #tpu.core_type<sc_vector_subcore>, window_params = [{transform_indices = #map}, {transform_indices = #map1}, {transform_indices = #map}]} {
    %mul3A = arith.constant 2 : i32
    %mul3A_0 = arith.muli %arg1, %mul3A : i32
    %add3A = arith.addi %mul3A_0, %arg0 : i32
    %mul3A_1 = arith.constant 256 : i32
    %mul3A_2 = arith.muli %add3A, %mul3A_1 : i32
    "tpu.region"() ({
      %run_scoped3A = tpu.sem_alloc : memref<!tpu.dma_semaphore, #tpu.memory_space<semaphore_mem>>
      %dma_start3A_7 = tpu.memref_slice %arg3[%mul3A_2] : memref<8192xi32, #tpu.memory_space<hbm>> -> memref<256xi32, #tpu.memory_space<hbm>>
      %dma_start3A_8 = tpu.memref_slice %arg3[%mul3A_2] : memref<8192xi32, #tpu.memory_space<hbm>> -> memref<256xi32, #tpu.memory_space<hbm>>
      tpu.enqueue_dma source(%dma_start3A_8 : memref<256xi32, #tpu.memory_space<hbm>>) target(%arg5 : memref<256xi32, #tpu.memory_space<vmem>>) target_semaphore(%run_scoped3A : memref<!tpu.dma_semaphore, #tpu.memory_space<semaphore_mem>>)
      %dma_wait3A_9 = tpu.memref_slice %arg3[%mul3A_2] : memref<8192xi32, #tpu.memory_space<hbm>> -> memref<256xi32, #tpu.memory_space<hbm>>
      %dma_wait3A_10 = tpu.memref_slice %arg3[%mul3A_2] : memref<8192xi32, #tpu.memory_space<hbm>> -> memref<256xi32, #tpu.memory_space<hbm>>
      tpu.wait_dma2 semaphore(%run_scoped3A : memref<!tpu.dma_semaphore, #tpu.memory_space<semaphore_mem>>) src(%dma_wait3A_10 : memref<256xi32, #tpu.memory_space<hbm>>) dst(%arg5 : memref<256xi32, #tpu.memory_space<vmem>>)
      tpu.yield
    }) : () -> ()
    %dma_start3A = arith.constant 0 : i32
    %dma_start3A_3 = arith.constant 0 : i32
    %dma_start3A_4 = tpu.memref_slice %arg2[%dma_start3A, %dma_start3A_3] : memref<50000x128xf32, #tpu.memory_space<hbm>> -> memref<50000x128xf32, #tpu.memory_space<hbm>>
    tpu.enqueue_indirect_dma source(%dma_start3A_4 : memref<50000x128xf32, #tpu.memory_space<hbm>>) target(%arg6 : memref<256x128xf32, #tpu.memory_space<vmem>>) offsets(%arg5 : memref<256xi32, #tpu.memory_space<vmem>>) semaphore(%arg7 : memref<!tpu.dma_semaphore, #tpu.memory_space<semaphore_mem>>)
    %dma_wait3A = arith.constant 0 : i32
    %dma_wait3A_5 = arith.constant 0 : i32
    %dma_wait3A_6 = tpu.memref_slice %arg2[%dma_wait3A, %dma_wait3A_5] : memref<50000x128xf32, #tpu.memory_space<hbm>> -> memref<50000x128xf32, #tpu.memory_space<hbm>>
    tpu.wait_indirect_dma semaphore(%arg7 : memref<!tpu.dma_semaphore, #tpu.memory_space<semaphore_mem>>) src(%dma_wait3A_6 : memref<50000x128xf32, #tpu.memory_space<hbm>>) dst(%arg6 : memref<256x128xf32, #tpu.memory_space<vmem>>)
    "tpu.region"() ({
      %run_scoped3A = tpu.sem_alloc : memref<!tpu.dma_semaphore, #tpu.memory_space<semaphore_mem>>
      %dma_start3A_7 = arith.constant 0 : i32
      %dma_start3A_8 = tpu.memref_slice %arg4[%mul3A_2, %dma_start3A_7] : memref<8192x128xf32, #tpu.memory_space<hbm>> -> memref<256x128xf32, #tpu.memory_space<hbm>>
      %dma_start3A_9 = arith.constant 0 : i32
      %dma_start3A_10 = tpu.memref_slice %arg4[%mul3A_2, %dma_start3A_9] : memref<8192x128xf32, #tpu.memory_space<hbm>> -> memref<256x128xf32, #tpu.memory_space<hbm>>
      tpu.enqueue_dma source(%arg6 : memref<256x128xf32, #tpu.memory_space<vmem>>) target(%dma_start3A_10 : memref<256x128xf32, #tpu.memory_space<hbm>>) target_semaphore(%run_scoped3A : memref<!tpu.dma_semaphore, #tpu.memory_space<semaphore_mem>>)
      %dma_wait3A_11 = arith.constant 0 : i32
      %dma_wait3A_12 = tpu.memref_slice %arg4[%mul3A_2, %dma_wait3A_11] : memref<8192x128xf32, #tpu.memory_space<hbm>> -> memref<256x128xf32, #tpu.memory_space<hbm>>
      %dma_wait3A_13 = arith.constant 0 : i32
      %dma_wait3A_14 = tpu.memref_slice %arg4[%mul3A_2, %dma_wait3A_13] : memref<8192x128xf32, #tpu.memory_space<hbm>> -> memref<256x128xf32, #tpu.memory_space<hbm>>
      tpu.wait_dma2 semaphore(%run_scoped3A : memref<!tpu.dma_semaphore, #tpu.memory_space<semaphore_mem>>) src(%arg6 : memref<256x128xf32, #tpu.memory_space<vmem>>) dst(%dma_wait3A_14 : memref<256x128xf32, #tpu.memory_space<hbm>>)
      tpu.yield
    }) : () -> ()
    return
  }
}

module attributes {stable_mosaic.version = 14 : i64} {
  func.func @_simtopk_body(%arg0: i32, %arg1: memref<1024x64xf32, #tpu.memory_space<vmem>>, %arg2: memref<2048x64xf32, #tpu.memory_space<vmem>>, %arg3: memref<1024x8xf32, #tpu.memory_space<vmem>>, %arg4: memref<1024x8xi32, #tpu.memory_space<vmem>>, %arg5: memref<1024x2048xf32, #tpu.memory_space<vmem>>, %arg6: memref<1024x1024xf32, #tpu.memory_space<vmem>>, %arg7: memref<1024x1024xi32, #tpu.memory_space<vmem>>) attributes {dimension_semantics = [#tpu.dimension_semantics<arbitrary>], iteration_bounds = array<i64: 49>, scalar_prefetch = 0 : i64, scratch_operands = 3 : i64, tpu.core_type = #tpu.core_type<tc>, window_params = [{pipeline_mode = #tpu.pipeline_mode<synchronous>, transform_indices = @transform_0, window_bounds = array<i64: 1024, 64>}, {transform_indices = @transform_1, window_bounds = array<i64: 2048, 64>}, {pipeline_mode = #tpu.pipeline_mode<synchronous>, transform_indices = @transform_2, window_bounds = array<i64: 1024, 8>}, {pipeline_mode = #tpu.pipeline_mode<synchronous>, transform_indices = @transform_3, window_bounds = array<i64: 1024, 8>}]} {
    %eq3A = arith.constant 0 : i32
    %eq3A_0 = arith.cmpi eq, %arg0, %eq3A : i32
    %convert_element_type3A = arith.extui %eq3A_0 : i1 to i32
    %cond3A = arith.constant 0 : i32
    %cond3A_1 = arith.cmpi ne, %convert_element_type3A, %cond3A : i32
    scf.if %cond3A_1 {
      %broadcast_in_dim3A = arith.constant -3.000000e+38 : f32
      %broadcast_in_dim3A_22 = vector.broadcast %broadcast_in_dim3A : f32 to vector<1024x1024xf32>
      %swap3A_23 = arith.constant 0 : index
      %swap3A_24 = arith.constant 0 : index
      %swap3A_25 = vector.load %arg6[%swap3A_23, %swap3A_24] : memref<1024x1024xf32, #tpu.memory_space<vmem>>, vector<1024x1024xf32>
      tpu.vector_store %arg6[%swap3A_23, %swap3A_24], %broadcast_in_dim3A_22 {strides = array<i32>} : memref<1024x1024xf32, #tpu.memory_space<vmem>>, vector<1024x1024xf32>,
      %broadcast_in_dim3A_26 = arith.constant 1073741824 : i32
      %broadcast_in_dim3A_27 = vector.broadcast %broadcast_in_dim3A_26 : i32 to vector<1024x1024xi32>
      %swap3A_28 = arith.constant 0 : index
      %swap3A_29 = arith.constant 0 : index
      %swap3A_30 = vector.load %arg7[%swap3A_28, %swap3A_29] : memref<1024x1024xi32, #tpu.memory_space<vmem>>, vector<1024x1024xi32>
      tpu.vector_store %arg7[%swap3A_28, %swap3A_29], %broadcast_in_dim3A_27 {strides = array<i32>} : memref<1024x1024xi32, #tpu.memory_space<vmem>>, vector<1024x1024xi32>,
    } else {
    }
    %get3A = arith.constant 0 : index
    %get3A_2 = arith.constant 0 : index
    %get3A_3 = vector.load %arg1[%get3A, %get3A_2] : memref<1024x64xf32, #tpu.memory_space<vmem>>, vector<1024x64xf32>
    %get3A_4 = arith.constant 0 : index
    %get3A_5 = arith.constant 0 : index
    %get3A_6 = vector.load %arg2[%get3A_4, %get3A_5] : memref<2048x64xf32, #tpu.memory_space<vmem>>, vector<2048x64xf32>
    %dot_general3A = arith.constant dense<0.000000e+00> : vector<1024x2048xf32>
    %dot_general3A_7 = tpu.matmul %get3A_3, %get3A_6, %dot_general3A {dimension_numbers = #tpu.dot_dimension_numbers<[1], [1], [0], [0], [0, 0, 1, 0], [], []>, transpose_lhs_hint = false} : vector<1024x64xf32>, vector<2048x64xf32>, vector<1024x2048xf32> -> vector<1024x2048xf32>
    %swap3A = arith.constant 0 : index
    %swap3A_8 = arith.constant 0 : index
    %swap3A_9 = vector.load %arg5[%swap3A, %swap3A_8] : memref<1024x2048xf32, #tpu.memory_space<vmem>>, vector<1024x2048xf32>
    tpu.vector_store %arg5[%swap3A, %swap3A_8], %dot_general3A_7 {strides = array<i32>} : memref<1024x2048xf32, #tpu.memory_space<vmem>>, vector<1024x2048xf32>,
    %eq3A_10 = arith.constant 48 : i32
    %eq3A_11 = arith.cmpi eq, %arg0, %eq3A_10 : i32
    %convert_element_type3A_12 = arith.extui %eq3A_11 : i1 to i32
    %cond3A_13 = arith.constant 0 : i32
    %cond3A_14 = arith.cmpi ne, %convert_element_type3A_12, %cond3A_13 : i32
    scf.if %cond3A_14 {
      %get3A_22 = arith.constant 0 : index
      %get3A_23 = arith.constant 1664 : index
      %get3A_24 = vector.load %arg5[%get3A_22, %get3A_23] : memref<1024x2048xf32, #tpu.memory_space<vmem>>, vector<1024x384xf32>
      %iota3A_25 = tpu.iota {dimensions = array<i32: 1>} : vector<1024x384xi32>
      %lt3A = arith.constant 32 : i32
      %lt3A_26 = vector.broadcast %lt3A : i32 to vector<1024x384xi32>
      %lt3A_27 = arith.cmpi slt, %iota3A_25, %lt3A_26 : vector<1024x384xi32>
      %jit3A = arith.constant -3.000000e+38 : f32
      %broadcast_in_dim3A = vector.broadcast %jit3A : f32 to vector<1024x384xf32>
      %select_n3A = arith.select %lt3A_27, %get3A_24, %broadcast_in_dim3A : vector<1024x384xi1>, vector<1024x384xf32>
      %swap3A_28 = arith.constant 0 : index
      %swap3A_29 = arith.constant 1664 : index
      %swap3A_30 = vector.load %arg5[%swap3A_28, %swap3A_29] : memref<1024x2048xf32, #tpu.memory_space<vmem>>, vector<1024x384xf32>
      tpu.vector_store %arg5[%swap3A_28, %swap3A_29], %select_n3A {strides = array<i32>} : memref<1024x2048xf32, #tpu.memory_space<vmem>>, vector<1024x384xf32>,
    } else {
    }
    %iota3A = tpu.iota {dimensions = array<i32: 1>} : vector<16x128xi32>
    %mul3A = arith.constant 2048 : i32
    %mul3A_15 = arith.muli %arg0, %mul3A : i32
    %while3A = arith.constant 0 : i32
    %while3A_16 = scf.while (%while3A_22 = %while3A) : (i32) -> i32 {
      %lt3A = arith.constant 64 : i32
      %lt3A_23 = arith.cmpi slt, %while3A_22, %lt3A : i32
      scf.condition(%lt3A_23) %while3A_22 : i32
    } do {
    ^bb0(%while3A_22: i32):
      %mul3A_23 = arith.constant 16 : i32
      %mul3A_24 = arith.muli %while3A_22, %mul3A_23 : i32
      %get3A_25 = arith.index_cast %mul3A_24 : i32 to index
      %get3A_26 = arith.constant 0 : index
      %get3A_27 = vector.load %arg6[%get3A_25, %get3A_26] : memref<1024x1024xf32, #tpu.memory_space<vmem>>, vector<16x128xf32>
      %get3A_28 = arith.index_cast %mul3A_24 : i32 to index
      %get3A_29 = arith.constant 128 : index
      %get3A_30 = vector.load %arg6[%get3A_28, %get3A_29] : memref<1024x1024xf32, #tpu.memory_space<vmem>>, vector<16x128xf32>
      %get3A_31 = arith.index_cast %mul3A_24 : i32 to index
      %get3A_32 = arith.constant 256 : index
      %get3A_33 = vector.load %arg6[%get3A_31, %get3A_32] : memref<1024x1024xf32, #tpu.memory_space<vmem>>, vector<16x128xf32>
      %get3A_34 = arith.index_cast %mul3A_24 : i32 to index
      %get3A_35 = arith.constant 384 : index
      %get3A_36 = vector.load %arg6[%get3A_34, %get3A_35] : memref<1024x1024xf32, #tpu.memory_space<vmem>>, vector<16x128xf32>
      %get3A_37 = arith.index_cast %mul3A_24 : i32 to index
      %get3A_38 = arith.constant 512 : index
      %get3A_39 = vector.load %arg6[%get3A_37, %get3A_38] : memref<1024x1024xf32, #tpu.memory_space<vmem>>, vector<16x128xf32>
      %get3A_40 = arith.index_cast %mul3A_24 : i32 to index
      %get3A_41 = arith.constant 640 : index
      %get3A_42 = vector.load %arg6[%get3A_40, %get3A_41] : memref<1024x1024xf32, #tpu.memory_space<vmem>>, vector<16x128xf32>
      %get3A_43 = arith.index_cast %mul3A_24 : i32 to index
      %get3A_44 = arith.constant 768 : index
      %get3A_45 = vector.load %arg6[%get3A_43, %get3A_44] : memref<1024x1024xf32, #tpu.memory_space<vmem>>, vector<16x128xf32>
      %get3A_46 = arith.index_cast %mul3A_24 : i32 to index
      %get3A_47 = arith.constant 896 : index
      %get3A_48 = vector.load %arg6[%get3A_46, %get3A_47] : memref<1024x1024xf32, #tpu.memory_space<vmem>>, vector<16x128xf32>
      %get3A_49 = arith.index_cast %mul3A_24 : i32 to index
      %get3A_50 = arith.constant 0 : index
      %get3A_51 = vector.load %arg7[%get3A_49, %get3A_50] : memref<1024x1024xi32, #tpu.memory_space<vmem>>, vector<16x128xi32>
      %get3A_52 = arith.index_cast %mul3A_24 : i32 to index
      %get3A_53 = arith.constant 128 : index
      %get3A_54 = vector.load %arg7[%get3A_52, %get3A_53] : memref<1024x1024xi32, #tpu.memory_space<vmem>>, vector<16x128xi32>
      %get3A_55 = arith.index_cast %mul3A_24 : i32 to index
      %get3A_56 = arith.constant 256 : index
      %get3A_57 = vector.load %arg7[%get3A_55, %get3A_56] : memref<1024x1024xi32, #tpu.memory_space<vmem>>, vector<16x128xi32>
      %get3A_58 = arith.index_cast %mul3A_24 : i32 to index
      %get3A_59 = arith.constant 384 : index
      %get3A_60 = vector.load %arg7[%get3A_58, %get3A_59] : memref<1024x1024xi32, #tpu.memory_space<vmem>>, vector<16x128xi32>
      %get3A_61 = arith.index_cast %mul3A_24 : i32 to index
      %get3A_62 = arith.constant 512 : index
      %get3A_63 = vector.load %arg7[%get3A_61, %get3A_62] : memref<1024x1024xi32, #tpu.memory_space<vmem>>, vector<16x128xi32>
      %get3A_64 = arith.index_cast %mul3A_24 : i32 to index
      %get3A_65 = arith.constant 640 : index
      %get3A_66 = vector.load %arg7[%get3A_64, %get3A_65] : memref<1024x1024xi32, #tpu.memory_space<vmem>>, vector<16x128xi32>
      %get3A_67 = arith.index_cast %mul3A_24 : i32 to index
      %get3A_68 = arith.constant 768 : index
      %get3A_69 = vector.load %arg7[%get3A_67, %get3A_68] : memref<1024x1024xi32, #tpu.memory_space<vmem>>, vector<16x128xi32>
      %get3A_70 = arith.index_cast %mul3A_24 : i32 to index
      %get3A_71 = arith.constant 896 : index
      %get3A_72 = vector.load %arg7[%get3A_70, %get3A_71] : memref<1024x1024xi32, #tpu.memory_space<vmem>>, vector<16x128xi32>
      %get3A_73 = arith.index_cast %mul3A_24 : i32 to index
      %get3A_74 = arith.constant 0 : index
      %get3A_75 = vector.load %arg5[%get3A_73, %get3A_74] : memref<1024x2048xf32, #tpu.memory_space<vmem>>, vector<16x128xf32>
      %add3A = arith.constant 0 : i32
      %add3A_76 = arith.addi %mul3A_15, %add3A : i32
      %add3A_77 = vector.broadcast %add3A_76 : i32 to vector<16x128xi32>
      %add3A_78 = arith.addi %iota3A, %add3A_77 : vector<16x128xi32>
      %gt3A = arith.cmpf ogt, %get3A_75, %get3A_27 : vector<16x128xf32>
      %max3A = arith.maximumf %get3A_75, %get3A_27 : vector<16x128xf32>
      %min3A = arith.minimumf %get3A_75, %get3A_27 : vector<16x128xf32>
      %select_n3A = arith.select %gt3A, %add3A_78, %get3A_51 : vector<16x128xi1>, vector<16x128xi32>
      %select_n3A_79 = arith.select %gt3A, %get3A_51, %add3A_78 : vector<16x128xi1>, vector<16x128xi32>
      %gt3A_80 = arith.cmpf ogt, %min3A, %get3A_30 : vector<16x128xf32>
      %max3A_81 = arith.maximumf %min3A, %get3A_30 : vector<16x128xf32>
      %min3A_82 = arith.minimumf %min3A, %get3A_30 : vector<16x128xf32>
      %select_n3A_83 = arith.select %gt3A_80, %select_n3A_79, %get3A_54 : vector<16x128xi1>, vector<16x128xi32>
      %select_n3A_84 = arith.select %gt3A_80, %get3A_54, %select_n3A_79 : vector<16x128xi1>, vector<16x128xi32>
      %gt3A_85 = arith.cmpf ogt, %min3A_82, %get3A_33 : vector<16x128xf32>
      %max3A_86 = arith.maximumf %min3A_82, %get3A_33 : vector<16x128xf32>
      %min3A_87 = arith.minimumf %min3A_82, %get3A_33 : vector<16x128xf32>
      %select_n3A_88 = arith.select %gt3A_85, %select_n3A_84, %get3A_57 : vector<16x128xi1>, vector<16x128xi32>
      %select_n3A_89 = arith.select %gt3A_85, %get3A_57, %select_n3A_84 : vector<16x128xi1>, vector<16x128xi32>
      %gt3A_90 = arith.cmpf ogt, %min3A_87, %get3A_36 : vector<16x128xf32>
      %max3A_91 = arith.maximumf %min3A_87, %get3A_36 : vector<16x128xf32>
      %min3A_92 = arith.minimumf %min3A_87, %get3A_36 : vector<16x128xf32>
      %select_n3A_93 = arith.select %gt3A_90, %select_n3A_89, %get3A_60 : vector<16x128xi1>, vector<16x128xi32>
      %select_n3A_94 = arith.select %gt3A_90, %get3A_60, %select_n3A_89 : vector<16x128xi1>, vector<16x128xi32>
      %gt3A_95 = arith.cmpf ogt, %min3A_92, %get3A_39 : vector<16x128xf32>
      %max3A_96 = arith.maximumf %min3A_92, %get3A_39 : vector<16x128xf32>
      %min3A_97 = arith.minimumf %min3A_92, %get3A_39 : vector<16x128xf32>
      %select_n3A_98 = arith.select %gt3A_95, %select_n3A_94, %get3A_63 : vector<16x128xi1>, vector<16x128xi32>
      %select_n3A_99 = arith.select %gt3A_95, %get3A_63, %select_n3A_94 : vector<16x128xi1>, vector<16x128xi32>
      %gt3A_100 = arith.cmpf ogt, %min3A_97, %get3A_42 : vector<16x128xf32>
      %max3A_101 = arith.maximumf %min3A_97, %get3A_42 : vector<16x128xf32>
      %min3A_102 = arith.minimumf %min3A_97, %get3A_42 : vector<16x128xf32>
      %select_n3A_103 = arith.select %gt3A_100, %select_n3A_99, %get3A_66 : vector<16x128xi1>, vector<16x128xi32>
      %select_n3A_104 = arith.select %gt3A_100, %get3A_66, %select_n3A_99 : vector<16x128xi1>, vector<16x128xi32>
      %gt3A_105 = arith.cmpf ogt, %min3A_102, %get3A_45 : vector<16x128xf32>
      %max3A_106 = arith.maximumf %min3A_102, %get3A_45 : vector<16x128xf32>
      %min3A_107 = arith.minimumf %min3A_102, %get3A_45 : vector<16x128xf32>
      %select_n3A_108 = arith.select %gt3A_105, %select_n3A_104, %get3A_69 : vector<16x128xi1>, vector<16x128xi32>
      %select_n3A_109 = arith.select %gt3A_105, %get3A_69, %select_n3A_104 : vector<16x128xi1>, vector<16x128xi32>
      %gt3A_110 = arith.cmpf ogt, %min3A_107, %get3A_48 : vector<16x128xf32>
      %max3A_111 = arith.maximumf %min3A_107, %get3A_48 : vector<16x128xf32>
      %min3A_112 = arith.minimumf %min3A_107, %get3A_48 : vector<16x128xf32>
      %select_n3A_113 = arith.select %gt3A_110, %select_n3A_109, %get3A_72 : vector<16x128xi1>, vector<16x128xi32>
      %select_n3A_114 = arith.select %gt3A_110, %get3A_72, %select_n3A_109 : vector<16x128xi1>, vector<16x128xi32>
      %get3A_115 = arith.index_cast %mul3A_24 : i32 to index
      %get3A_116 = arith.constant 128 : index
      %get3A_117 = vector.load %arg5[%get3A_115, %get3A_116] : memref<1024x2048xf32, #tpu.memory_space<vmem>>, vector<16x128xf32>
      %add3A_118 = arith.constant 128 : i32
      %add3A_119 = arith.addi %mul3A_15, %add3A_118 : i32
      %add3A_120 = vector.broadcast %add3A_119 : i32 to vector<16x128xi32>
      %add3A_121 = arith.addi %iota3A, %add3A_120 : vector<16x128xi32>
      %gt3A_122 = arith.cmpf ogt, %get3A_117, %max3A : vector<16x128xf32>
      %max3A_123 = arith.maximumf %get3A_117, %max3A : vector<16x128xf32>
      %min3A_124 = arith.minimumf %get3A_117, %max3A : vector<16x128xf32>
      %select_n3A_125 = arith.select %gt3A_122, %add3A_121, %select_n3A : vector<16x128xi1>, vector<16x128xi32>
      %select_n3A_126 = arith.select %gt3A_122, %select_n3A, %add3A_121 : vector<16x128xi1>, vector<16x128xi32>
      %gt3A_127 = arith.cmpf ogt, %min3A_124, %max3A_81 : vector<16x128xf32>
      %max3A_128 = arith.maximumf %min3A_124, %max3A_81 : vector<16x128xf32>
      %min3A_129 = arith.minimumf %min3A_124, %max3A_81 : vector<16x128xf32>
      %select_n3A_130 = arith.select %gt3A_127, %select_n3A_126, %select_n3A_83 : vector<16x128xi1>, vector<16x128xi32>
      %select_n3A_131 = arith.select %gt3A_127, %select_n3A_83, %select_n3A_126 : vector<16x128xi1>, vector<16x128xi32>
      %gt3A_132 = arith.cmpf ogt, %min3A_129, %max3A_86 : vector<16x128xf32>
      %max3A_133 = arith.maximumf %min3A_129, %max3A_86 : vector<16x128xf32>
      %min3A_134 = arith.minimumf %min3A_129, %max3A_86 : vector<16x128xf32>
      %select_n3A_135 = arith.select %gt3A_132, %select_n3A_131, %select_n3A_88 : vector<16x128xi1>, vector<16x128xi32>
      %select_n3A_136 = arith.select %gt3A_132, %select_n3A_88, %select_n3A_131 : vector<16x128xi1>, vector<16x128xi32>
      %gt3A_137 = arith.cmpf ogt, %min3A_134, %max3A_91 : vector<16x128xf32>
      %max3A_138 = arith.maximumf %min3A_134, %max3A_91 : vector<16x128xf32>
      %min3A_139 = arith.minimumf %min3A_134, %max3A_91 : vector<16x128xf32>
      %select_n3A_140 = arith.select %gt3A_137, %select_n3A_136, %select_n3A_93 : vector<16x128xi1>, vector<16x128xi32>
      %select_n3A_141 = arith.select %gt3A_137, %select_n3A_93, %select_n3A_136 : vector<16x128xi1>, vector<16x128xi32>
      %gt3A_142 = arith.cmpf ogt, %min3A_139, %max3A_96 : vector<16x128xf32>
      %max3A_143 = arith.maximumf %min3A_139, %max3A_96 : vector<16x128xf32>
      %min3A_144 = arith.minimumf %min3A_139, %max3A_96 : vector<16x128xf32>
      %select_n3A_145 = arith.select %gt3A_142, %select_n3A_141, %select_n3A_98 : vector<16x128xi1>, vector<16x128xi32>
      %select_n3A_146 = arith.select %gt3A_142, %select_n3A_98, %select_n3A_141 : vector<16x128xi1>, vector<16x128xi32>
      %gt3A_147 = arith.cmpf ogt, %min3A_144, %max3A_101 : vector<16x128xf32>
      %max3A_148 = arith.maximumf %min3A_144, %max3A_101 : vector<16x128xf32>
      %min3A_149 = arith.minimumf %min3A_144, %max3A_101 : vector<16x128xf32>
      %select_n3A_150 = arith.select %gt3A_147, %select_n3A_146, %select_n3A_103 : vector<16x128xi1>, vector<16x128xi32>
      %select_n3A_151 = arith.select %gt3A_147, %select_n3A_103, %select_n3A_146 : vector<16x128xi1>, vector<16x128xi32>
      %gt3A_152 = arith.cmpf ogt, %min3A_149, %max3A_106 : vector<16x128xf32>
      %max3A_153 = arith.maximumf %min3A_149, %max3A_106 : vector<16x128xf32>
      %min3A_154 = arith.minimumf %min3A_149, %max3A_106 : vector<16x128xf32>
      %select_n3A_155 = arith.select %gt3A_152, %select_n3A_151, %select_n3A_108 : vector<16x128xi1>, vector<16x128xi32>
      %select_n3A_156 = arith.select %gt3A_152, %select_n3A_108, %select_n3A_151 : vector<16x128xi1>, vector<16x128xi32>
      %gt3A_157 = arith.cmpf ogt, %min3A_154, %max3A_111 : vector<16x128xf32>
      %max3A_158 = arith.maximumf %min3A_154, %max3A_111 : vector<16x128xf32>
      %min3A_159 = arith.minimumf %min3A_154, %max3A_111 : vector<16x128xf32>
      %select_n3A_160 = arith.select %gt3A_157, %select_n3A_156, %select_n3A_113 : vector<16x128xi1>, vector<16x128xi32>
      %select_n3A_161 = arith.select %gt3A_157, %select_n3A_113, %select_n3A_156 : vector<16x128xi1>, vector<16x128xi32>
      %get3A_162 = arith.index_cast %mul3A_24 : i32 to index
      %get3A_163 = arith.constant 256 : index
      %get3A_164 = vector.load %arg5[%get3A_162, %get3A_163] : memref<1024x2048xf32, #tpu.memory_space<vmem>>, vector<16x128xf32>
      %add3A_165 = arith.constant 256 : i32
      %add3A_166 = arith.addi %mul3A_15, %add3A_165 : i32
      %add3A_167 = vector.broadcast %add3A_166 : i32 to vector<16x128xi32>
      %add3A_168 = arith.addi %iota3A, %add3A_167 : vector<16x128xi32>
      %gt3A_169 = arith.cmpf ogt, %get3A_164, %max3A_123 : vector<16x128xf32>
      %max3A_170 = arith.maximumf %get3A_164, %max3A_123 : vector<16x128xf32>
      %min3A_171 = arith.minimumf %get3A_164, %max3A_123 : vector<16x128xf32>
      %select_n3A_172 = arith.select %gt3A_169, %add3A_168, %select_n3A_125 : vector<16x128xi1>, vector<16x128xi32>
      %select_n3A_173 = arith.select %gt3A_169, %select_n3A_125, %add3A_168 : vector<16x128xi1>, vector<16x128xi32>
      %gt3A_174 = arith.cmpf ogt, %min3A_171, %max3A_128 : vector<16x128xf32>
      %max3A_175 = arith.maximumf %min3A_171, %max3A_128 : vector<16x128xf32>
      %min3A_176 = arith.minimumf %min3A_171, %max3A_128 : vector<16x128xf32>
      %select_n3A_177 = arith.select %gt3A_174, %select_n3A_173, %select_n3A_130 : vector<16x128xi1>, vector<16x128xi32>
      %select_n3A_178 = arith.select %gt3A_174, %select_n3A_130, %select_n3A_173 : vector<16x128xi1>, vector<16x128xi32>
      %gt3A_179 = arith.cmpf ogt, %min3A_176, %max3A_133 : vector<16x128xf32>
      %max3A_180 = arith.maximumf %min3A_176, %max3A_133 : vector<16x128xf32>
      %min3A_181 = arith.minimumf %min3A_176, %max3A_133 : vector<16x128xf32>
      %select_n3A_182 = arith.select %gt3A_179, %select_n3A_178, %select_n3A_135 : vector<16x128xi1>, vector<16x128xi32>
      %select_n3A_183 = arith.select %gt3A_179, %select_n3A_135, %select_n3A_178 : vector<16x128xi1>, vector<16x128xi32>
      %gt3A_184 = arith.cmpf ogt, %min3A_181, %max3A_138 : vector<16x128xf32>
      %max3A_185 = arith.maximumf %min3A_181, %max3A_138 : vector<16x128xf32>
      %min3A_186 = arith.minimumf %min3A_181, %max3A_138 : vector<16x128xf32>
      %select_n3A_187 = arith.select %gt3A_184, %select_n3A_183, %select_n3A_140 : vector<16x128xi1>, vector<16x128xi32>
      %select_n3A_188 = arith.select %gt3A_184, %select_n3A_140, %select_n3A_183 : vector<16x128xi1>, vector<16x128xi32>
      %gt3A_189 = arith.cmpf ogt, %min3A_186, %max3A_143 : vector<16x128xf32>
      %max3A_190 = arith.maximumf %min3A_186, %max3A_143 : vector<16x128xf32>
      %min3A_191 = arith.minimumf %min3A_186, %max3A_143 : vector<16x128xf32>
      %select_n3A_192 = arith.select %gt3A_189, %select_n3A_188, %select_n3A_145 : vector<16x128xi1>, vector<16x128xi32>
      %select_n3A_193 = arith.select %gt3A_189, %select_n3A_145, %select_n3A_188 : vector<16x128xi1>, vector<16x128xi32>
      %gt3A_194 = arith.cmpf ogt, %min3A_191, %max3A_148 : vector<16x128xf32>
      %max3A_195 = arith.maximumf %min3A_191, %max3A_148 : vector<16x128xf32>
      %min3A_196 = arith.minimumf %min3A_191, %max3A_148 : vector<16x128xf32>
      %select_n3A_197 = arith.select %gt3A_194, %select_n3A_193, %select_n3A_150 : vector<16x128xi1>, vector<16x128xi32>
      %select_n3A_198 = arith.select %gt3A_194, %select_n3A_150, %select_n3A_193 : vector<16x128xi1>, vector<16x128xi32>
      %gt3A_199 = arith.cmpf ogt, %min3A_196, %max3A_153 : vector<16x128xf32>
      %max3A_200 = arith.maximumf %min3A_196, %max3A_153 : vector<16x128xf32>
      %min3A_201 = arith.minimumf %min3A_196, %max3A_153 : vector<16x128xf32>
      %select_n3A_202 = arith.select %gt3A_199, %select_n3A_198, %select_n3A_155 : vector<16x128xi1>, vector<16x128xi32>
      %select_n3A_203 = arith.select %gt3A_199, %select_n3A_155, %select_n3A_198 : vector<16x128xi1>, vector<16x128xi32>
      %gt3A_204 = arith.cmpf ogt, %min3A_201, %max3A_158 : vector<16x128xf32>
      %max3A_205 = arith.maximumf %min3A_201, %max3A_158 : vector<16x128xf32>
      %min3A_206 = arith.minimumf %min3A_201, %max3A_158 : vector<16x128xf32>
      %select_n3A_207 = arith.select %gt3A_204, %select_n3A_203, %select_n3A_160 : vector<16x128xi1>, vector<16x128xi32>
      %select_n3A_208 = arith.select %gt3A_204, %select_n3A_160, %select_n3A_203 : vector<16x128xi1>, vector<16x128xi32>
      %get3A_209 = arith.index_cast %mul3A_24 : i32 to index
      %get3A_210 = arith.constant 384 : index
      %get3A_211 = vector.load %arg5[%get3A_209, %get3A_210] : memref<1024x2048xf32, #tpu.memory_space<vmem>>, vector<16x128xf32>
      %add3A_212 = arith.constant 384 : i32
      %add3A_213 = arith.addi %mul3A_15, %add3A_212 : i32
      %add3A_214 = vector.broadcast %add3A_213 : i32 to vector<16x128xi32>
      %add3A_215 = arith.addi %iota3A, %add3A_214 : vector<16x128xi32>
      %gt3A_216 = arith.cmpf ogt, %get3A_211, %max3A_170 : vector<16x128xf32>
      %max3A_217 = arith.maximumf %get3A_211, %max3A_170 : vector<16x128xf32>
      %min3A_218 = arith.minimumf %get3A_211, %max3A_170 : vector<16x128xf32>
      %select_n3A_219 = arith.select %gt3A_216, %add3A_215, %select_n3A_172 : vector<16x128xi1>, vector<16x128xi32>
      %select_n3A_220 = arith.select %gt3A_216, %select_n3A_172, %add3A_215 : vector<16x128xi1>, vector<16x128xi32>
      %gt3A_221 = arith.cmpf ogt, %min3A_218, %max3A_175 : vector<16x128xf32>
      %max3A_222 = arith.maximumf %min3A_218, %max3A_175 : vector<16x128xf32>
      %min3A_223 = arith.minimumf %min3A_218, %max3A_175 : vector<16x128xf32>
      %select_n3A_224 = arith.select %gt3A_221, %select_n3A_220, %select_n3A_177 : vector<16x128xi1>, vector<16x128xi32>
      %select_n3A_225 = arith.select %gt3A_221, %select_n3A_177, %select_n3A_220 : vector<16x128xi1>, vector<16x128xi32>
      %gt3A_226 = arith.cmpf ogt, %min3A_223, %max3A_180 : vector<16x128xf32>
      %max3A_227 = arith.maximumf %min3A_223, %max3A_180 : vector<16x128xf32>
      %min3A_228 = arith.minimumf %min3A_223, %max3A_180 : vector<16x128xf32>
      %select_n3A_229 = arith.select %gt3A_226, %select_n3A_225, %select_n3A_182 : vector<16x128xi1>, vector<16x128xi32>
      %select_n3A_230 = arith.select %gt3A_226, %select_n3A_182, %select_n3A_225 : vector<16x128xi1>, vector<16x128xi32>
      %gt3A_231 = arith.cmpf ogt, %min3A_228, %max3A_185 : vector<16x128xf32>
      %max3A_232 = arith.maximumf %min3A_228, %max3A_185 : vector<16x128xf32>
      %min3A_233 = arith.minimumf %min3A_228, %max3A_185 : vector<16x128xf32>
      %select_n3A_234 = arith.select %gt3A_231, %select_n3A_230, %select_n3A_187 : vector<16x128xi1>, vector<16x128xi32>
      %select_n3A_235 = arith.select %gt3A_231, %select_n3A_187, %select_n3A_230 : vector<16x128xi1>, vector<16x128xi32>
      %gt3A_236 = arith.cmpf ogt, %min3A_233, %max3A_190 : vector<16x128xf32>
      %max3A_237 = arith.maximumf %min3A_233, %max3A_190 : vector<16x128xf32>
      %min3A_238 = arith.minimumf %min3A_233, %max3A_190 : vector<16x128xf32>
      %select_n3A_239 = arith.select %gt3A_236, %select_n3A_235, %select_n3A_192 : vector<16x128xi1>, vector<16x128xi32>
      %select_n3A_240 = arith.select %gt3A_236, %select_n3A_192, %select_n3A_235 : vector<16x128xi1>, vector<16x128xi32>
      %gt3A_241 = arith.cmpf ogt, %min3A_238, %max3A_195 : vector<16x128xf32>
      %max3A_242 = arith.maximumf %min3A_238, %max3A_195 : vector<16x128xf32>
      %min3A_243 = arith.minimumf %min3A_238, %max3A_195 : vector<16x128xf32>
      %select_n3A_244 = arith.select %gt3A_241, %select_n3A_240, %select_n3A_197 : vector<16x128xi1>, vector<16x128xi32>
      %select_n3A_245 = arith.select %gt3A_241, %select_n3A_197, %select_n3A_240 : vector<16x128xi1>, vector<16x128xi32>
      %gt3A_246 = arith.cmpf ogt, %min3A_243, %max3A_200 : vector<16x128xf32>
      %max3A_247 = arith.maximumf %min3A_243, %max3A_200 : vector<16x128xf32>
      %min3A_248 = arith.minimumf %min3A_243, %max3A_200 : vector<16x128xf32>
      %select_n3A_249 = arith.select %gt3A_246, %select_n3A_245, %select_n3A_202 : vector<16x128xi1>, vector<16x128xi32>
      %select_n3A_250 = arith.select %gt3A_246, %select_n3A_202, %select_n3A_245 : vector<16x128xi1>, vector<16x128xi32>
      %gt3A_251 = arith.cmpf ogt, %min3A_248, %max3A_205 : vector<16x128xf32>
      %max3A_252 = arith.maximumf %min3A_248, %max3A_205 : vector<16x128xf32>
      %min3A_253 = arith.minimumf %min3A_248, %max3A_205 : vector<16x128xf32>
      %select_n3A_254 = arith.select %gt3A_251, %select_n3A_250, %select_n3A_207 : vector<16x128xi1>, vector<16x128xi32>
      %select_n3A_255 = arith.select %gt3A_251, %select_n3A_207, %select_n3A_250 : vector<16x128xi1>, vector<16x128xi32>
      %get3A_256 = arith.index_cast %mul3A_24 : i32 to index
      %get3A_257 = arith.constant 512 : index
      %get3A_258 = vector.load %arg5[%get3A_256, %get3A_257] : memref<1024x2048xf32, #tpu.memory_space<vmem>>, vector<16x128xf32>
      %add3A_259 = arith.constant 512 : i32
      %add3A_260 = arith.addi %mul3A_15, %add3A_259 : i32
      %add3A_261 = vector.broadcast %add3A_260 : i32 to vector<16x128xi32>
      %add3A_262 = arith.addi %iota3A, %add3A_261 : vector<16x128xi32>
      %gt3A_263 = arith.cmpf ogt, %get3A_258, %max3A_217 : vector<16x128xf32>
      %max3A_264 = arith.maximumf %get3A_258, %max3A_217 : vector<16x128xf32>
      %min3A_265 = arith.minimumf %get3A_258, %max3A_217 : vector<16x128xf32>
      %select_n3A_266 = arith.select %gt3A_263, %add3A_262, %select_n3A_219 : vector<16x128xi1>, vector<16x128xi32>
      %select_n3A_267 = arith.select %gt3A_263, %select_n3A_219, %add3A_262 : vector<16x128xi1>, vector<16x128xi32>
      %gt3A_268 = arith.cmpf ogt, %min3A_265, %max3A_222 : vector<16x128xf32>
      %max3A_269 = arith.maximumf %min3A_265, %max3A_222 : vector<16x128xf32>
      %min3A_270 = arith.minimumf %min3A_265, %max3A_222 : vector<16x128xf32>
      %select_n3A_271 = arith.select %gt3A_268, %select_n3A_267, %select_n3A_224 : vector<16x128xi1>, vector<16x128xi32>
      %select_n3A_272 = arith.select %gt3A_268, %select_n3A_224, %select_n3A_267 : vector<16x128xi1>, vector<16x128xi32>
      %gt3A_273 = arith.cmpf ogt, %min3A_270, %max3A_227 : vector<16x128xf32>
      %max3A_274 = arith.maximumf %min3A_270, %max3A_227 : vector<16x128xf32>
      %min3A_275 = arith.minimumf %min3A_270, %max3A_227 : vector<16x128xf32>
      %select_n3A_276 = arith.select %gt3A_273, %select_n3A_272, %select_n3A_229 : vector<16x128xi1>, vector<16x128xi32>
      %select_n3A_277 = arith.select %gt3A_273, %select_n3A_229, %select_n3A_272 : vector<16x128xi1>, vector<16x128xi32>
      %gt3A_278 = arith.cmpf ogt, %min3A_275, %max3A_232 : vector<16x128xf32>
      %max3A_279 = arith.maximumf %min3A_275, %max3A_232 : vector<16x128xf32>
      %min3A_280 = arith.minimumf %min3A_275, %max3A_232 : vector<16x128xf32>
      %select_n3A_281 = arith.select %gt3A_278, %select_n3A_277, %select_n3A_234 : vector<16x128xi1>, vector<16x128xi32>
      %select_n3A_282 = arith.select %gt3A_278, %select_n3A_234, %select_n3A_277 : vector<16x128xi1>, vector<16x128xi32>
      %gt3A_283 = arith.cmpf ogt, %min3A_280, %max3A_237 : vector<16x128xf32>
      %max3A_284 = arith.maximumf %min3A_280, %max3A_237 : vector<16x128xf32>
      %min3A_285 = arith.minimumf %min3A_280, %max3A_237 : vector<16x128xf32>
      %select_n3A_286 = arith.select %gt3A_283, %select_n3A_282, %select_n3A_239 : vector<16x128xi1>, vector<16x128xi32>
      %select_n3A_287 = arith.select %gt3A_283, %select_n3A_239, %select_n3A_282 : vector<16x128xi1>, vector<16x128xi32>
      %gt3A_288 = arith.cmpf ogt, %min3A_285, %max3A_242 : vector<16x128xf32>
      %max3A_289 = arith.maximumf %min3A_285, %max3A_242 : vector<16x128xf32>
      %min3A_290 = arith.minimumf %min3A_285, %max3A_242 : vector<16x128xf32>
      %select_n3A_291 = arith.select %gt3A_288, %select_n3A_287, %select_n3A_244 : vector<16x128xi1>, vector<16x128xi32>
      %select_n3A_292 = arith.select %gt3A_288, %select_n3A_244, %select_n3A_287 : vector<16x128xi1>, vector<16x128xi32>
      %gt3A_293 = arith.cmpf ogt, %min3A_290, %max3A_247 : vector<16x128xf32>
      %max3A_294 = arith.maximumf %min3A_290, %max3A_247 : vector<16x128xf32>
      %min3A_295 = arith.minimumf %min3A_290, %max3A_247 : vector<16x128xf32>
      %select_n3A_296 = arith.select %gt3A_293, %select_n3A_292, %select_n3A_249 : vector<16x128xi1>, vector<16x128xi32>
      %select_n3A_297 = arith.select %gt3A_293, %select_n3A_249, %select_n3A_292 : vector<16x128xi1>, vector<16x128xi32>
      %gt3A_298 = arith.cmpf ogt, %min3A_295, %max3A_252 : vector<16x128xf32>
      %max3A_299 = arith.maximumf %min3A_295, %max3A_252 : vector<16x128xf32>
      %min3A_300 = arith.minimumf %min3A_295, %max3A_252 : vector<16x128xf32>
      %select_n3A_301 = arith.select %gt3A_298, %select_n3A_297, %select_n3A_254 : vector<16x128xi1>, vector<16x128xi32>
      %select_n3A_302 = arith.select %gt3A_298, %select_n3A_254, %select_n3A_297 : vector<16x128xi1>, vector<16x128xi32>
      %get3A_303 = arith.index_cast %mul3A_24 : i32 to index
      %get3A_304 = arith.constant 640 : index
      %get3A_305 = vector.load %arg5[%get3A_303, %get3A_304] : memref<1024x2048xf32, #tpu.memory_space<vmem>>, vector<16x128xf32>
      %add3A_306 = arith.constant 640 : i32
      %add3A_307 = arith.addi %mul3A_15, %add3A_306 : i32
      %add3A_308 = vector.broadcast %add3A_307 : i32 to vector<16x128xi32>
      %add3A_309 = arith.addi %iota3A, %add3A_308 : vector<16x128xi32>
      %gt3A_310 = arith.cmpf ogt, %get3A_305, %max3A_264 : vector<16x128xf32>
      %max3A_311 = arith.maximumf %get3A_305, %max3A_264 : vector<16x128xf32>
      %min3A_312 = arith.minimumf %get3A_305, %max3A_264 : vector<16x128xf32>
      %select_n3A_313 = arith.select %gt3A_310, %add3A_309, %select_n3A_266 : vector<16x128xi1>, vector<16x128xi32>
      %select_n3A_314 = arith.select %gt3A_310, %select_n3A_266, %add3A_309 : vector<16x128xi1>, vector<16x128xi32>
      %gt3A_315 = arith.cmpf ogt, %min3A_312, %max3A_269 : vector<16x128xf32>
      %max3A_316 = arith.maximumf %min3A_312, %max3A_269 : vector<16x128xf32>
      %min3A_317 = arith.minimumf %min3A_312, %max3A_269 : vector<16x128xf32>
      %select_n3A_318 = arith.select %gt3A_315, %select_n3A_314, %select_n3A_271 : vector<16x128xi1>, vector<16x128xi32>
      %select_n3A_319 = arith.select %gt3A_315, %select_n3A_271, %select_n3A_314 : vector<16x128xi1>, vector<16x128xi32>
      %gt3A_320 = arith.cmpf ogt, %min3A_317, %max3A_274 : vector<16x128xf32>
      %max3A_321 = arith.maximumf %min3A_317, %max3A_274 : vector<16x128xf32>
      %min3A_322 = arith.minimumf %min3A_317, %max3A_274 : vector<16x128xf32>
      %select_n3A_323 = arith.select %gt3A_320, %select_n3A_319, %select_n3A_276 : vector<16x128xi1>, vector<16x128xi32>
      %select_n3A_324 = arith.select %gt3A_320, %select_n3A_276, %select_n3A_319 : vector<16x128xi1>, vector<16x128xi32>
      %gt3A_325 = arith.cmpf ogt, %min3A_322, %max3A_279 : vector<16x128xf32>
      %max3A_326 = arith.maximumf %min3A_322, %max3A_279 : vector<16x128xf32>
      %min3A_327 = arith.minimumf %min3A_322, %max3A_279 : vector<16x128xf32>
      %select_n3A_328 = arith.select %gt3A_325, %select_n3A_324, %select_n3A_281 : vector<16x128xi1>, vector<16x128xi32>
      %select_n3A_329 = arith.select %gt3A_325, %select_n3A_281, %select_n3A_324 : vector<16x128xi1>, vector<16x128xi32>
      %gt3A_330 = arith.cmpf ogt, %min3A_327, %max3A_284 : vector<16x128xf32>
      %max3A_331 = arith.maximumf %min3A_327, %max3A_284 : vector<16x128xf32>
      %min3A_332 = arith.minimumf %min3A_327, %max3A_284 : vector<16x128xf32>
      %select_n3A_333 = arith.select %gt3A_330, %select_n3A_329, %select_n3A_286 : vector<16x128xi1>, vector<16x128xi32>
      %select_n3A_334 = arith.select %gt3A_330, %select_n3A_286, %select_n3A_329 : vector<16x128xi1>, vector<16x128xi32>
      %gt3A_335 = arith.cmpf ogt, %min3A_332, %max3A_289 : vector<16x128xf32>
      %max3A_336 = arith.maximumf %min3A_332, %max3A_289 : vector<16x128xf32>
      %min3A_337 = arith.minimumf %min3A_332, %max3A_289 : vector<16x128xf32>
      %select_n3A_338 = arith.select %gt3A_335, %select_n3A_334, %select_n3A_291 : vector<16x128xi1>, vector<16x128xi32>
      %select_n3A_339 = arith.select %gt3A_335, %select_n3A_291, %select_n3A_334 : vector<16x128xi1>, vector<16x128xi32>
      %gt3A_340 = arith.cmpf ogt, %min3A_337, %max3A_294 : vector<16x128xf32>
      %max3A_341 = arith.maximumf %min3A_337, %max3A_294 : vector<16x128xf32>
      %min3A_342 = arith.minimumf %min3A_337, %max3A_294 : vector<16x128xf32>
      %select_n3A_343 = arith.select %gt3A_340, %select_n3A_339, %select_n3A_296 : vector<16x128xi1>, vector<16x128xi32>
      %select_n3A_344 = arith.select %gt3A_340, %select_n3A_296, %select_n3A_339 : vector<16x128xi1>, vector<16x128xi32>
      %gt3A_345 = arith.cmpf ogt, %min3A_342, %max3A_299 : vector<16x128xf32>
      %max3A_346 = arith.maximumf %min3A_342, %max3A_299 : vector<16x128xf32>
      %min3A_347 = arith.minimumf %min3A_342, %max3A_299 : vector<16x128xf32>
      %select_n3A_348 = arith.select %gt3A_345, %select_n3A_344, %select_n3A_301 : vector<16x128xi1>, vector<16x128xi32>
      %select_n3A_349 = arith.select %gt3A_345, %select_n3A_301, %select_n3A_344 : vector<16x128xi1>, vector<16x128xi32>
      %get3A_350 = arith.index_cast %mul3A_24 : i32 to index
      %get3A_351 = arith.constant 768 : index
      %get3A_352 = vector.load %arg5[%get3A_350, %get3A_351] : memref<1024x2048xf32, #tpu.memory_space<vmem>>, vector<16x128xf32>
      %add3A_353 = arith.constant 768 : i32
      %add3A_354 = arith.addi %mul3A_15, %add3A_353 : i32
      %add3A_355 = vector.broadcast %add3A_354 : i32 to vector<16x128xi32>
      %add3A_356 = arith.addi %iota3A, %add3A_355 : vector<16x128xi32>
      %gt3A_357 = arith.cmpf ogt, %get3A_352, %max3A_311 : vector<16x128xf32>
      %max3A_358 = arith.maximumf %get3A_352, %max3A_311 : vector<16x128xf32>
      %min3A_359 = arith.minimumf %get3A_352, %max3A_311 : vector<16x128xf32>
      %select_n3A_360 = arith.select %gt3A_357, %add3A_356, %select_n3A_313 : vector<16x128xi1>, vector<16x128xi32>
      %select_n3A_361 = arith.select %gt3A_357, %select_n3A_313, %add3A_356 : vector<16x128xi1>, vector<16x128xi32>
      %gt3A_362 = arith.cmpf ogt, %min3A_359, %max3A_316 : vector<16x128xf32>
      %max3A_363 = arith.maximumf %min3A_359, %max3A_316 : vector<16x128xf32>
      %min3A_364 = arith.minimumf %min3A_359, %max3A_316 : vector<16x128xf32>
      %select_n3A_365 = arith.select %gt3A_362, %select_n3A_361, %select_n3A_318 : vector<16x128xi1>, vector<16x128xi32>
      %select_n3A_366 = arith.select %gt3A_362, %select_n3A_318, %select_n3A_361 : vector<16x128xi1>, vector<16x128xi32>
      %gt3A_367 = arith.cmpf ogt, %min3A_364, %max3A_321 : vector<16x128xf32>
      %max3A_368 = arith.maximumf %min3A_364, %max3A_321 : vector<16x128xf32>
      %min3A_369 = arith.minimumf %min3A_364, %max3A_321 : vector<16x128xf32>
      %select_n3A_370 = arith.select %gt3A_367, %select_n3A_366, %select_n3A_323 : vector<16x128xi1>, vector<16x128xi32>
      %select_n3A_371 = arith.select %gt3A_367, %select_n3A_323, %select_n3A_366 : vector<16x128xi1>, vector<16x128xi32>
      %gt3A_372 = arith.cmpf ogt, %min3A_369, %max3A_326 : vector<16x128xf32>
      %max3A_373 = arith.maximumf %min3A_369, %max3A_326 : vector<16x128xf32>
      %min3A_374 = arith.minimumf %min3A_369, %max3A_326 : vector<16x128xf32>
      %select_n3A_375 = arith.select %gt3A_372, %select_n3A_371, %select_n3A_328 : vector<16x128xi1>, vector<16x128xi32>
      %select_n3A_376 = arith.select %gt3A_372, %select_n3A_328, %select_n3A_371 : vector<16x128xi1>, vector<16x128xi32>
      %gt3A_377 = arith.cmpf ogt, %min3A_374, %max3A_331 : vector<16x128xf32>
      %max3A_378 = arith.maximumf %min3A_374, %max3A_331 : vector<16x128xf32>
      %min3A_379 = arith.minimumf %min3A_374, %max3A_331 : vector<16x128xf32>
      %select_n3A_380 = arith.select %gt3A_377, %select_n3A_376, %select_n3A_333 : vector<16x128xi1>, vector<16x128xi32>
      %select_n3A_381 = arith.select %gt3A_377, %select_n3A_333, %select_n3A_376 : vector<16x128xi1>, vector<16x128xi32>
      %gt3A_382 = arith.cmpf ogt, %min3A_379, %max3A_336 : vector<16x128xf32>
      %max3A_383 = arith.maximumf %min3A_379, %max3A_336 : vector<16x128xf32>
      %min3A_384 = arith.minimumf %min3A_379, %max3A_336 : vector<16x128xf32>
      %select_n3A_385 = arith.select %gt3A_382, %select_n3A_381, %select_n3A_338 : vector<16x128xi1>, vector<16x128xi32>
      %select_n3A_386 = arith.select %gt3A_382, %select_n3A_338, %select_n3A_381 : vector<16x128xi1>, vector<16x128xi32>
      %gt3A_387 = arith.cmpf ogt, %min3A_384, %max3A_341 : vector<16x128xf32>
      %max3A_388 = arith.maximumf %min3A_384, %max3A_341 : vector<16x128xf32>
      %min3A_389 = arith.minimumf %min3A_384, %max3A_341 : vector<16x128xf32>
      %select_n3A_390 = arith.select %gt3A_387, %select_n3A_386, %select_n3A_343 : vector<16x128xi1>, vector<16x128xi32>
      %select_n3A_391 = arith.select %gt3A_387, %select_n3A_343, %select_n3A_386 : vector<16x128xi1>, vector<16x128xi32>
      %gt3A_392 = arith.cmpf ogt, %min3A_389, %max3A_346 : vector<16x128xf32>
      %max3A_393 = arith.maximumf %min3A_389, %max3A_346 : vector<16x128xf32>
      %min3A_394 = arith.minimumf %min3A_389, %max3A_346 : vector<16x128xf32>
      %select_n3A_395 = arith.select %gt3A_392, %select_n3A_391, %select_n3A_348 : vector<16x128xi1>, vector<16x128xi32>
      %select_n3A_396 = arith.select %gt3A_392, %select_n3A_348, %select_n3A_391 : vector<16x128xi1>, vector<16x128xi32>
      %get3A_397 = arith.index_cast %mul3A_24 : i32 to index
      %get3A_398 = arith.constant 896 : index
      %get3A_399 = vector.load %arg5[%get3A_397, %get3A_398] : memref<1024x2048xf32, #tpu.memory_space<vmem>>, vector<16x128xf32>
      %add3A_400 = arith.constant 896 : i32
      %add3A_401 = arith.addi %mul3A_15, %add3A_400 : i32
      %add3A_402 = vector.broadcast %add3A_401 : i32 to vector<16x128xi32>
      %add3A_403 = arith.addi %iota3A, %add3A_402 : vector<16x128xi32>
      %gt3A_404 = arith.cmpf ogt, %get3A_399, %max3A_358 : vector<16x128xf32>
      %max3A_405 = arith.maximumf %get3A_399, %max3A_358 : vector<16x128xf32>
      %min3A_406 = arith.minimumf %get3A_399, %max3A_358 : vector<16x128xf32>
      %select_n3A_407 = arith.select %gt3A_404, %add3A_403, %select_n3A_360 : vector<16x128xi1>, vector<16x128xi32>
      %select_n3A_408 = arith.select %gt3A_404, %select_n3A_360, %add3A_403 : vector<16x128xi1>, vector<16x128xi32>
      %gt3A_409 = arith.cmpf ogt, %min3A_406, %max3A_363 : vector<16x128xf32>
      %max3A_410 = arith.maximumf %min3A_406, %max3A_363 : vector<16x128xf32>
      %min3A_411 = arith.minimumf %min3A_406, %max3A_363 : vector<16x128xf32>
      %select_n3A_412 = arith.select %gt3A_409, %select_n3A_408, %select_n3A_365 : vector<16x128xi1>, vector<16x128xi32>
      %select_n3A_413 = arith.select %gt3A_409, %select_n3A_365, %select_n3A_408 : vector<16x128xi1>, vector<16x128xi32>
      %gt3A_414 = arith.cmpf ogt, %min3A_411, %max3A_368 : vector<16x128xf32>
      %max3A_415 = arith.maximumf %min3A_411, %max3A_368 : vector<16x128xf32>
      %min3A_416 = arith.minimumf %min3A_411, %max3A_368 : vector<16x128xf32>
      %select_n3A_417 = arith.select %gt3A_414, %select_n3A_413, %select_n3A_370 : vector<16x128xi1>, vector<16x128xi32>
      %select_n3A_418 = arith.select %gt3A_414, %select_n3A_370, %select_n3A_413 : vector<16x128xi1>, vector<16x128xi32>
      %gt3A_419 = arith.cmpf ogt, %min3A_416, %max3A_373 : vector<16x128xf32>
      %max3A_420 = arith.maximumf %min3A_416, %max3A_373 : vector<16x128xf32>
      %min3A_421 = arith.minimumf %min3A_416, %max3A_373 : vector<16x128xf32>
      %select_n3A_422 = arith.select %gt3A_419, %select_n3A_418, %select_n3A_375 : vector<16x128xi1>, vector<16x128xi32>
      %select_n3A_423 = arith.select %gt3A_419, %select_n3A_375, %select_n3A_418 : vector<16x128xi1>, vector<16x128xi32>
      %gt3A_424 = arith.cmpf ogt, %min3A_421, %max3A_378 : vector<16x128xf32>
      %max3A_425 = arith.maximumf %min3A_421, %max3A_378 : vector<16x128xf32>
      %min3A_426 = arith.minimumf %min3A_421, %max3A_378 : vector<16x128xf32>
      %select_n3A_427 = arith.select %gt3A_424, %select_n3A_423, %select_n3A_380 : vector<16x128xi1>, vector<16x128xi32>
      %select_n3A_428 = arith.select %gt3A_424, %select_n3A_380, %select_n3A_423 : vector<16x128xi1>, vector<16x128xi32>
      %gt3A_429 = arith.cmpf ogt, %min3A_426, %max3A_383 : vector<16x128xf32>
      %max3A_430 = arith.maximumf %min3A_426, %max3A_383 : vector<16x128xf32>
      %min3A_431 = arith.minimumf %min3A_426, %max3A_383 : vector<16x128xf32>
      %select_n3A_432 = arith.select %gt3A_429, %select_n3A_428, %select_n3A_385 : vector<16x128xi1>, vector<16x128xi32>
      %select_n3A_433 = arith.select %gt3A_429, %select_n3A_385, %select_n3A_428 : vector<16x128xi1>, vector<16x128xi32>
      %gt3A_434 = arith.cmpf ogt, %min3A_431, %max3A_388 : vector<16x128xf32>
      %max3A_435 = arith.maximumf %min3A_431, %max3A_388 : vector<16x128xf32>
      %min3A_436 = arith.minimumf %min3A_431, %max3A_388 : vector<16x128xf32>
      %select_n3A_437 = arith.select %gt3A_434, %select_n3A_433, %select_n3A_390 : vector<16x128xi1>, vector<16x128xi32>
      %select_n3A_438 = arith.select %gt3A_434, %select_n3A_390, %select_n3A_433 : vector<16x128xi1>, vector<16x128xi32>
      %gt3A_439 = arith.cmpf ogt, %min3A_436, %max3A_393 : vector<16x128xf32>
      %max3A_440 = arith.maximumf %min3A_436, %max3A_393 : vector<16x128xf32>
      %min3A_441 = arith.minimumf %min3A_436, %max3A_393 : vector<16x128xf32>
      %select_n3A_442 = arith.select %gt3A_439, %select_n3A_438, %select_n3A_395 : vector<16x128xi1>, vector<16x128xi32>
      %select_n3A_443 = arith.select %gt3A_439, %select_n3A_395, %select_n3A_438 : vector<16x128xi1>, vector<16x128xi32>
      %get3A_444 = arith.index_cast %mul3A_24 : i32 to index
      %get3A_445 = arith.constant 1024 : index
      %get3A_446 = vector.load %arg5[%get3A_444, %get3A_445] : memref<1024x2048xf32, #tpu.memory_space<vmem>>, vector<16x128xf32>
      %add3A_447 = arith.constant 1024 : i32
      %add3A_448 = arith.addi %mul3A_15, %add3A_447 : i32
      %add3A_449 = vector.broadcast %add3A_448 : i32 to vector<16x128xi32>
      %add3A_450 = arith.addi %iota3A, %add3A_449 : vector<16x128xi32>
      %gt3A_451 = arith.cmpf ogt, %get3A_446, %max3A_405 : vector<16x128xf32>
      %max3A_452 = arith.maximumf %get3A_446, %max3A_405 : vector<16x128xf32>
      %min3A_453 = arith.minimumf %get3A_446, %max3A_405 : vector<16x128xf32>
      %select_n3A_454 = arith.select %gt3A_451, %add3A_450, %select_n3A_407 : vector<16x128xi1>, vector<16x128xi32>
      %select_n3A_455 = arith.select %gt3A_451, %select_n3A_407, %add3A_450 : vector<16x128xi1>, vector<16x128xi32>
      %gt3A_456 = arith.cmpf ogt, %min3A_453, %max3A_410 : vector<16x128xf32>
      %max3A_457 = arith.maximumf %min3A_453, %max3A_410 : vector<16x128xf32>
      %min3A_458 = arith.minimumf %min3A_453, %max3A_410 : vector<16x128xf32>
      %select_n3A_459 = arith.select %gt3A_456, %select_n3A_455, %select_n3A_412 : vector<16x128xi1>, vector<16x128xi32>
      %select_n3A_460 = arith.select %gt3A_456, %select_n3A_412, %select_n3A_455 : vector<16x128xi1>, vector<16x128xi32>
      %gt3A_461 = arith.cmpf ogt, %min3A_458, %max3A_415 : vector<16x128xf32>
      %max3A_462 = arith.maximumf %min3A_458, %max3A_415 : vector<16x128xf32>
      %min3A_463 = arith.minimumf %min3A_458, %max3A_415 : vector<16x128xf32>
      %select_n3A_464 = arith.select %gt3A_461, %select_n3A_460, %select_n3A_417 : vector<16x128xi1>, vector<16x128xi32>
      %select_n3A_465 = arith.select %gt3A_461, %select_n3A_417, %select_n3A_460 : vector<16x128xi1>, vector<16x128xi32>
      %gt3A_466 = arith.cmpf ogt, %min3A_463, %max3A_420 : vector<16x128xf32>
      %max3A_467 = arith.maximumf %min3A_463, %max3A_420 : vector<16x128xf32>
      %min3A_468 = arith.minimumf %min3A_463, %max3A_420 : vector<16x128xf32>
      %select_n3A_469 = arith.select %gt3A_466, %select_n3A_465, %select_n3A_422 : vector<16x128xi1>, vector<16x128xi32>
      %select_n3A_470 = arith.select %gt3A_466, %select_n3A_422, %select_n3A_465 : vector<16x128xi1>, vector<16x128xi32>
      %gt3A_471 = arith.cmpf ogt, %min3A_468, %max3A_425 : vector<16x128xf32>
      %max3A_472 = arith.maximumf %min3A_468, %max3A_425 : vector<16x128xf32>
      %min3A_473 = arith.minimumf %min3A_468, %max3A_425 : vector<16x128xf32>
      %select_n3A_474 = arith.select %gt3A_471, %select_n3A_470, %select_n3A_427 : vector<16x128xi1>, vector<16x128xi32>
      %select_n3A_475 = arith.select %gt3A_471, %select_n3A_427, %select_n3A_470 : vector<16x128xi1>, vector<16x128xi32>
      %gt3A_476 = arith.cmpf ogt, %min3A_473, %max3A_430 : vector<16x128xf32>
      %max3A_477 = arith.maximumf %min3A_473, %max3A_430 : vector<16x128xf32>
      %min3A_478 = arith.minimumf %min3A_473, %max3A_430 : vector<16x128xf32>
      %select_n3A_479 = arith.select %gt3A_476, %select_n3A_475, %select_n3A_432 : vector<16x128xi1>, vector<16x128xi32>
      %select_n3A_480 = arith.select %gt3A_476, %select_n3A_432, %select_n3A_475 : vector<16x128xi1>, vector<16x128xi32>
      %gt3A_481 = arith.cmpf ogt, %min3A_478, %max3A_435 : vector<16x128xf32>
      %max3A_482 = arith.maximumf %min3A_478, %max3A_435 : vector<16x128xf32>
      %min3A_483 = arith.minimumf %min3A_478, %max3A_435 : vector<16x128xf32>
      %select_n3A_484 = arith.select %gt3A_481, %select_n3A_480, %select_n3A_437 : vector<16x128xi1>, vector<16x128xi32>
      %select_n3A_485 = arith.select %gt3A_481, %select_n3A_437, %select_n3A_480 : vector<16x128xi1>, vector<16x128xi32>
      %gt3A_486 = arith.cmpf ogt, %min3A_483, %max3A_440 : vector<16x128xf32>
      %max3A_487 = arith.maximumf %min3A_483, %max3A_440 : vector<16x128xf32>
      %min3A_488 = arith.minimumf %min3A_483, %max3A_440 : vector<16x128xf32>
      %select_n3A_489 = arith.select %gt3A_486, %select_n3A_485, %select_n3A_442 : vector<16x128xi1>, vector<16x128xi32>
      %select_n3A_490 = arith.select %gt3A_486, %select_n3A_442, %select_n3A_485 : vector<16x128xi1>, vector<16x128xi32>
      %get3A_491 = arith.index_cast %mul3A_24 : i32 to index
      %get3A_492 = arith.constant 1152 : index
      %get3A_493 = vector.load %arg5[%get3A_491, %get3A_492] : memref<1024x2048xf32, #tpu.memory_space<vmem>>, vector<16x128xf32>
      %add3A_494 = arith.constant 1152 : i32
      %add3A_495 = arith.addi %mul3A_15, %add3A_494 : i32
      %add3A_496 = vector.broadcast %add3A_495 : i32 to vector<16x128xi32>
      %add3A_497 = arith.addi %iota3A, %add3A_496 : vector<16x128xi32>
      %gt3A_498 = arith.cmpf ogt, %get3A_493, %max3A_452 : vector<16x128xf32>
      %max3A_499 = arith.maximumf %get3A_493, %max3A_452 : vector<16x128xf32>
      %min3A_500 = arith.minimumf %get3A_493, %max3A_452 : vector<16x128xf32>
      %select_n3A_501 = arith.select %gt3A_498, %add3A_497, %select_n3A_454 : vector<16x128xi1>, vector<16x128xi32>
      %select_n3A_502 = arith.select %gt3A_498, %select_n3A_454, %add3A_497 : vector<16x128xi1>, vector<16x128xi32>
      %gt3A_503 = arith.cmpf ogt, %min3A_500, %max3A_457 : vector<16x128xf32>
      %max3A_504 = arith.maximumf %min3A_500, %max3A_457 : vector<16x128xf32>
      %min3A_505 = arith.minimumf %min3A_500, %max3A_457 : vector<16x128xf32>
      %select_n3A_506 = arith.select %gt3A_503, %select_n3A_502, %select_n3A_459 : vector<16x128xi1>, vector<16x128xi32>
      %select_n3A_507 = arith.select %gt3A_503, %select_n3A_459, %select_n3A_502 : vector<16x128xi1>, vector<16x128xi32>
      %gt3A_508 = arith.cmpf ogt, %min3A_505, %max3A_462 : vector<16x128xf32>
      %max3A_509 = arith.maximumf %min3A_505, %max3A_462 : vector<16x128xf32>
      %min3A_510 = arith.minimumf %min3A_505, %max3A_462 : vector<16x128xf32>
      %select_n3A_511 = arith.select %gt3A_508, %select_n3A_507, %select_n3A_464 : vector<16x128xi1>, vector<16x128xi32>
      %select_n3A_512 = arith.select %gt3A_508, %select_n3A_464, %select_n3A_507 : vector<16x128xi1>, vector<16x128xi32>
      %gt3A_513 = arith.cmpf ogt, %min3A_510, %max3A_467 : vector<16x128xf32>
      %max3A_514 = arith.maximumf %min3A_510, %max3A_467 : vector<16x128xf32>
      %min3A_515 = arith.minimumf %min3A_510, %max3A_467 : vector<16x128xf32>
      %select_n3A_516 = arith.select %gt3A_513, %select_n3A_512, %select_n3A_469 : vector<16x128xi1>, vector<16x128xi32>
      %select_n3A_517 = arith.select %gt3A_513, %select_n3A_469, %select_n3A_512 : vector<16x128xi1>, vector<16x128xi32>
      %gt3A_518 = arith.cmpf ogt, %min3A_515, %max3A_472 : vector<16x128xf32>
      %max3A_519 = arith.maximumf %min3A_515, %max3A_472 : vector<16x128xf32>
      %min3A_520 = arith.minimumf %min3A_515, %max3A_472 : vector<16x128xf32>
      %select_n3A_521 = arith.select %gt3A_518, %select_n3A_517, %select_n3A_474 : vector<16x128xi1>, vector<16x128xi32>
      %select_n3A_522 = arith.select %gt3A_518, %select_n3A_474, %select_n3A_517 : vector<16x128xi1>, vector<16x128xi32>
      %gt3A_523 = arith.cmpf ogt, %min3A_520, %max3A_477 : vector<16x128xf32>
      %max3A_524 = arith.maximumf %min3A_520, %max3A_477 : vector<16x128xf32>
      %min3A_525 = arith.minimumf %min3A_520, %max3A_477 : vector<16x128xf32>
      %select_n3A_526 = arith.select %gt3A_523, %select_n3A_522, %select_n3A_479 : vector<16x128xi1>, vector<16x128xi32>
      %select_n3A_527 = arith.select %gt3A_523, %select_n3A_479, %select_n3A_522 : vector<16x128xi1>, vector<16x128xi32>
      %gt3A_528 = arith.cmpf ogt, %min3A_525, %max3A_482 : vector<16x128xf32>
      %max3A_529 = arith.maximumf %min3A_525, %max3A_482 : vector<16x128xf32>
      %min3A_530 = arith.minimumf %min3A_525, %max3A_482 : vector<16x128xf32>
      %select_n3A_531 = arith.select %gt3A_528, %select_n3A_527, %select_n3A_484 : vector<16x128xi1>, vector<16x128xi32>
      %select_n3A_532 = arith.select %gt3A_528, %select_n3A_484, %select_n3A_527 : vector<16x128xi1>, vector<16x128xi32>
      %gt3A_533 = arith.cmpf ogt, %min3A_530, %max3A_487 : vector<16x128xf32>
      %max3A_534 = arith.maximumf %min3A_530, %max3A_487 : vector<16x128xf32>
      %min3A_535 = arith.minimumf %min3A_530, %max3A_487 : vector<16x128xf32>
      %select_n3A_536 = arith.select %gt3A_533, %select_n3A_532, %select_n3A_489 : vector<16x128xi1>, vector<16x128xi32>
      %select_n3A_537 = arith.select %gt3A_533, %select_n3A_489, %select_n3A_532 : vector<16x128xi1>, vector<16x128xi32>
      %get3A_538 = arith.index_cast %mul3A_24 : i32 to index
      %get3A_539 = arith.constant 1280 : index
      %get3A_540 = vector.load %arg5[%get3A_538, %get3A_539] : memref<1024x2048xf32, #tpu.memory_space<vmem>>, vector<16x128xf32>
      %add3A_541 = arith.constant 1280 : i32
      %add3A_542 = arith.addi %mul3A_15, %add3A_541 : i32
      %add3A_543 = vector.broadcast %add3A_542 : i32 to vector<16x128xi32>
      %add3A_544 = arith.addi %iota3A, %add3A_543 : vector<16x128xi32>
      %gt3A_545 = arith.cmpf ogt, %get3A_540, %max3A_499 : vector<16x128xf32>
      %max3A_546 = arith.maximumf %get3A_540, %max3A_499 : vector<16x128xf32>
      %min3A_547 = arith.minimumf %get3A_540, %max3A_499 : vector<16x128xf32>
      %select_n3A_548 = arith.select %gt3A_545, %add3A_544, %select_n3A_501 : vector<16x128xi1>, vector<16x128xi32>
      %select_n3A_549 = arith.select %gt3A_545, %select_n3A_501, %add3A_544 : vector<16x128xi1>, vector<16x128xi32>
      %gt3A_550 = arith.cmpf ogt, %min3A_547, %max3A_504 : vector<16x128xf32>
      %max3A_551 = arith.maximumf %min3A_547, %max3A_504 : vector<16x128xf32>
      %min3A_552 = arith.minimumf %min3A_547, %max3A_504 : vector<16x128xf32>
      %select_n3A_553 = arith.select %gt3A_550, %select_n3A_549, %select_n3A_506 : vector<16x128xi1>, vector<16x128xi32>
      %select_n3A_554 = arith.select %gt3A_550, %select_n3A_506, %select_n3A_549 : vector<16x128xi1>, vector<16x128xi32>
      %gt3A_555 = arith.cmpf ogt, %min3A_552, %max3A_509 : vector<16x128xf32>
      %max3A_556 = arith.maximumf %min3A_552, %max3A_509 : vector<16x128xf32>
      %min3A_557 = arith.minimumf %min3A_552, %max3A_509 : vector<16x128xf32>
      %select_n3A_558 = arith.select %gt3A_555, %select_n3A_554, %select_n3A_511 : vector<16x128xi1>, vector<16x128xi32>
      %select_n3A_559 = arith.select %gt3A_555, %select_n3A_511, %select_n3A_554 : vector<16x128xi1>, vector<16x128xi32>
      %gt3A_560 = arith.cmpf ogt, %min3A_557, %max3A_514 : vector<16x128xf32>
      %max3A_561 = arith.maximumf %min3A_557, %max3A_514 : vector<16x128xf32>
      %min3A_562 = arith.minimumf %min3A_557, %max3A_514 : vector<16x128xf32>
      %select_n3A_563 = arith.select %gt3A_560, %select_n3A_559, %select_n3A_516 : vector<16x128xi1>, vector<16x128xi32>
      %select_n3A_564 = arith.select %gt3A_560, %select_n3A_516, %select_n3A_559 : vector<16x128xi1>, vector<16x128xi32>
      %gt3A_565 = arith.cmpf ogt, %min3A_562, %max3A_519 : vector<16x128xf32>
      %max3A_566 = arith.maximumf %min3A_562, %max3A_519 : vector<16x128xf32>
      %min3A_567 = arith.minimumf %min3A_562, %max3A_519 : vector<16x128xf32>
      %select_n3A_568 = arith.select %gt3A_565, %select_n3A_564, %select_n3A_521 : vector<16x128xi1>, vector<16x128xi32>
      %select_n3A_569 = arith.select %gt3A_565, %select_n3A_521, %select_n3A_564 : vector<16x128xi1>, vector<16x128xi32>
      %gt3A_570 = arith.cmpf ogt, %min3A_567, %max3A_524 : vector<16x128xf32>
      %max3A_571 = arith.maximumf %min3A_567, %max3A_524 : vector<16x128xf32>
      %min3A_572 = arith.minimumf %min3A_567, %max3A_524 : vector<16x128xf32>
      %select_n3A_573 = arith.select %gt3A_570, %select_n3A_569, %select_n3A_526 : vector<16x128xi1>, vector<16x128xi32>
      %select_n3A_574 = arith.select %gt3A_570, %select_n3A_526, %select_n3A_569 : vector<16x128xi1>, vector<16x128xi32>
      %gt3A_575 = arith.cmpf ogt, %min3A_572, %max3A_529 : vector<16x128xf32>
      %max3A_576 = arith.maximumf %min3A_572, %max3A_529 : vector<16x128xf32>
      %min3A_577 = arith.minimumf %min3A_572, %max3A_529 : vector<16x128xf32>
      %select_n3A_578 = arith.select %gt3A_575, %select_n3A_574, %select_n3A_531 : vector<16x128xi1>, vector<16x128xi32>
      %select_n3A_579 = arith.select %gt3A_575, %select_n3A_531, %select_n3A_574 : vector<16x128xi1>, vector<16x128xi32>
      %gt3A_580 = arith.cmpf ogt, %min3A_577, %max3A_534 : vector<16x128xf32>
      %max3A_581 = arith.maximumf %min3A_577, %max3A_534 : vector<16x128xf32>
      %min3A_582 = arith.minimumf %min3A_577, %max3A_534 : vector<16x128xf32>
      %select_n3A_583 = arith.select %gt3A_580, %select_n3A_579, %select_n3A_536 : vector<16x128xi1>, vector<16x128xi32>
      %select_n3A_584 = arith.select %gt3A_580, %select_n3A_536, %select_n3A_579 : vector<16x128xi1>, vector<16x128xi32>
      %get3A_585 = arith.index_cast %mul3A_24 : i32 to index
      %get3A_586 = arith.constant 1408 : index
      %get3A_587 = vector.load %arg5[%get3A_585, %get3A_586] : memref<1024x2048xf32, #tpu.memory_space<vmem>>, vector<16x128xf32>
      %add3A_588 = arith.constant 1408 : i32
      %add3A_589 = arith.addi %mul3A_15, %add3A_588 : i32
      %add3A_590 = vector.broadcast %add3A_589 : i32 to vector<16x128xi32>
      %add3A_591 = arith.addi %iota3A, %add3A_590 : vector<16x128xi32>
      %gt3A_592 = arith.cmpf ogt, %get3A_587, %max3A_546 : vector<16x128xf32>
      %max3A_593 = arith.maximumf %get3A_587, %max3A_546 : vector<16x128xf32>
      %min3A_594 = arith.minimumf %get3A_587, %max3A_546 : vector<16x128xf32>
      %select_n3A_595 = arith.select %gt3A_592, %add3A_591, %select_n3A_548 : vector<16x128xi1>, vector<16x128xi32>
      %select_n3A_596 = arith.select %gt3A_592, %select_n3A_548, %add3A_591 : vector<16x128xi1>, vector<16x128xi32>
      %gt3A_597 = arith.cmpf ogt, %min3A_594, %max3A_551 : vector<16x128xf32>
      %max3A_598 = arith.maximumf %min3A_594, %max3A_551 : vector<16x128xf32>
      %min3A_599 = arith.minimumf %min3A_594, %max3A_551 : vector<16x128xf32>
      %select_n3A_600 = arith.select %gt3A_597, %select_n3A_596, %select_n3A_553 : vector<16x128xi1>, vector<16x128xi32>
      %select_n3A_601 = arith.select %gt3A_597, %select_n3A_553, %select_n3A_596 : vector<16x128xi1>, vector<16x128xi32>
      %gt3A_602 = arith.cmpf ogt, %min3A_599, %max3A_556 : vector<16x128xf32>
      %max3A_603 = arith.maximumf %min3A_599, %max3A_556 : vector<16x128xf32>
      %min3A_604 = arith.minimumf %min3A_599, %max3A_556 : vector<16x128xf32>
      %select_n3A_605 = arith.select %gt3A_602, %select_n3A_601, %select_n3A_558 : vector<16x128xi1>, vector<16x128xi32>
      %select_n3A_606 = arith.select %gt3A_602, %select_n3A_558, %select_n3A_601 : vector<16x128xi1>, vector<16x128xi32>
      %gt3A_607 = arith.cmpf ogt, %min3A_604, %max3A_561 : vector<16x128xf32>
      %max3A_608 = arith.maximumf %min3A_604, %max3A_561 : vector<16x128xf32>
      %min3A_609 = arith.minimumf %min3A_604, %max3A_561 : vector<16x128xf32>
      %select_n3A_610 = arith.select %gt3A_607, %select_n3A_606, %select_n3A_563 : vector<16x128xi1>, vector<16x128xi32>
      %select_n3A_611 = arith.select %gt3A_607, %select_n3A_563, %select_n3A_606 : vector<16x128xi1>, vector<16x128xi32>
      %gt3A_612 = arith.cmpf ogt, %min3A_609, %max3A_566 : vector<16x128xf32>
      %max3A_613 = arith.maximumf %min3A_609, %max3A_566 : vector<16x128xf32>
      %min3A_614 = arith.minimumf %min3A_609, %max3A_566 : vector<16x128xf32>
      %select_n3A_615 = arith.select %gt3A_612, %select_n3A_611, %select_n3A_568 : vector<16x128xi1>, vector<16x128xi32>
      %select_n3A_616 = arith.select %gt3A_612, %select_n3A_568, %select_n3A_611 : vector<16x128xi1>, vector<16x128xi32>
      %gt3A_617 = arith.cmpf ogt, %min3A_614, %max3A_571 : vector<16x128xf32>
      %max3A_618 = arith.maximumf %min3A_614, %max3A_571 : vector<16x128xf32>
      %min3A_619 = arith.minimumf %min3A_614, %max3A_571 : vector<16x128xf32>
      %select_n3A_620 = arith.select %gt3A_617, %select_n3A_616, %select_n3A_573 : vector<16x128xi1>, vector<16x128xi32>
      %select_n3A_621 = arith.select %gt3A_617, %select_n3A_573, %select_n3A_616 : vector<16x128xi1>, vector<16x128xi32>
      %gt3A_622 = arith.cmpf ogt, %min3A_619, %max3A_576 : vector<16x128xf32>
      %max3A_623 = arith.maximumf %min3A_619, %max3A_576 : vector<16x128xf32>
      %min3A_624 = arith.minimumf %min3A_619, %max3A_576 : vector<16x128xf32>
      %select_n3A_625 = arith.select %gt3A_622, %select_n3A_621, %select_n3A_578 : vector<16x128xi1>, vector<16x128xi32>
      %select_n3A_626 = arith.select %gt3A_622, %select_n3A_578, %select_n3A_621 : vector<16x128xi1>, vector<16x128xi32>
      %gt3A_627 = arith.cmpf ogt, %min3A_624, %max3A_581 : vector<16x128xf32>
      %max3A_628 = arith.maximumf %min3A_624, %max3A_581 : vector<16x128xf32>
      %min3A_629 = arith.minimumf %min3A_624, %max3A_581 : vector<16x128xf32>
      %select_n3A_630 = arith.select %gt3A_627, %select_n3A_626, %select_n3A_583 : vector<16x128xi1>, vector<16x128xi32>
      %select_n3A_631 = arith.select %gt3A_627, %select_n3A_583, %select_n3A_626 : vector<16x128xi1>, vector<16x128xi32>
      %get3A_632 = arith.index_cast %mul3A_24 : i32 to index
      %get3A_633 = arith.constant 1536 : index
      %get3A_634 = vector.load %arg5[%get3A_632, %get3A_633] : memref<1024x2048xf32, #tpu.memory_space<vmem>>, vector<16x128xf32>
      %add3A_635 = arith.constant 1536 : i32
      %add3A_636 = arith.addi %mul3A_15, %add3A_635 : i32
      %add3A_637 = vector.broadcast %add3A_636 : i32 to vector<16x128xi32>
      %add3A_638 = arith.addi %iota3A, %add3A_637 : vector<16x128xi32>
      %gt3A_639 = arith.cmpf ogt, %get3A_634, %max3A_593 : vector<16x128xf32>
      %max3A_640 = arith.maximumf %get3A_634, %max3A_593 : vector<16x128xf32>
      %min3A_641 = arith.minimumf %get3A_634, %max3A_593 : vector<16x128xf32>
      %select_n3A_642 = arith.select %gt3A_639, %add3A_638, %select_n3A_595 : vector<16x128xi1>, vector<16x128xi32>
      %select_n3A_643 = arith.select %gt3A_639, %select_n3A_595, %add3A_638 : vector<16x128xi1>, vector<16x128xi32>
      %gt3A_644 = arith.cmpf ogt, %min3A_641, %max3A_598 : vector<16x128xf32>
      %max3A_645 = arith.maximumf %min3A_641, %max3A_598 : vector<16x128xf32>
      %min3A_646 = arith.minimumf %min3A_641, %max3A_598 : vector<16x128xf32>
      %select_n3A_647 = arith.select %gt3A_644, %select_n3A_643, %select_n3A_600 : vector<16x128xi1>, vector<16x128xi32>
      %select_n3A_648 = arith.select %gt3A_644, %select_n3A_600, %select_n3A_643 : vector<16x128xi1>, vector<16x128xi32>
      %gt3A_649 = arith.cmpf ogt, %min3A_646, %max3A_603 : vector<16x128xf32>
      %max3A_650 = arith.maximumf %min3A_646, %max3A_603 : vector<16x128xf32>
      %min3A_651 = arith.minimumf %min3A_646, %max3A_603 : vector<16x128xf32>
      %select_n3A_652 = arith.select %gt3A_649, %select_n3A_648, %select_n3A_605 : vector<16x128xi1>, vector<16x128xi32>
      %select_n3A_653 = arith.select %gt3A_649, %select_n3A_605, %select_n3A_648 : vector<16x128xi1>, vector<16x128xi32>
      %gt3A_654 = arith.cmpf ogt, %min3A_651, %max3A_608 : vector<16x128xf32>
      %max3A_655 = arith.maximumf %min3A_651, %max3A_608 : vector<16x128xf32>
      %min3A_656 = arith.minimumf %min3A_651, %max3A_608 : vector<16x128xf32>
      %select_n3A_657 = arith.select %gt3A_654, %select_n3A_653, %select_n3A_610 : vector<16x128xi1>, vector<16x128xi32>
      %select_n3A_658 = arith.select %gt3A_654, %select_n3A_610, %select_n3A_653 : vector<16x128xi1>, vector<16x128xi32>
      %gt3A_659 = arith.cmpf ogt, %min3A_656, %max3A_613 : vector<16x128xf32>
      %max3A_660 = arith.maximumf %min3A_656, %max3A_613 : vector<16x128xf32>
      %min3A_661 = arith.minimumf %min3A_656, %max3A_613 : vector<16x128xf32>
      %select_n3A_662 = arith.select %gt3A_659, %select_n3A_658, %select_n3A_615 : vector<16x128xi1>, vector<16x128xi32>
      %select_n3A_663 = arith.select %gt3A_659, %select_n3A_615, %select_n3A_658 : vector<16x128xi1>, vector<16x128xi32>
      %gt3A_664 = arith.cmpf ogt, %min3A_661, %max3A_618 : vector<16x128xf32>
      %max3A_665 = arith.maximumf %min3A_661, %max3A_618 : vector<16x128xf32>
      %min3A_666 = arith.minimumf %min3A_661, %max3A_618 : vector<16x128xf32>
      %select_n3A_667 = arith.select %gt3A_664, %select_n3A_663, %select_n3A_620 : vector<16x128xi1>, vector<16x128xi32>
      %select_n3A_668 = arith.select %gt3A_664, %select_n3A_620, %select_n3A_663 : vector<16x128xi1>, vector<16x128xi32>
      %gt3A_669 = arith.cmpf ogt, %min3A_666, %max3A_623 : vector<16x128xf32>
      %max3A_670 = arith.maximumf %min3A_666, %max3A_623 : vector<16x128xf32>
      %min3A_671 = arith.minimumf %min3A_666, %max3A_623 : vector<16x128xf32>
      %select_n3A_672 = arith.select %gt3A_669, %select_n3A_668, %select_n3A_625 : vector<16x128xi1>, vector<16x128xi32>
      %select_n3A_673 = arith.select %gt3A_669, %select_n3A_625, %select_n3A_668 : vector<16x128xi1>, vector<16x128xi32>
      %gt3A_674 = arith.cmpf ogt, %min3A_671, %max3A_628 : vector<16x128xf32>
      %max3A_675 = arith.maximumf %min3A_671, %max3A_628 : vector<16x128xf32>
      %min3A_676 = arith.minimumf %min3A_671, %max3A_628 : vector<16x128xf32>
      %select_n3A_677 = arith.select %gt3A_674, %select_n3A_673, %select_n3A_630 : vector<16x128xi1>, vector<16x128xi32>
      %select_n3A_678 = arith.select %gt3A_674, %select_n3A_630, %select_n3A_673 : vector<16x128xi1>, vector<16x128xi32>
      %get3A_679 = arith.index_cast %mul3A_24 : i32 to index
      %get3A_680 = arith.constant 1664 : index
      %get3A_681 = vector.load %arg5[%get3A_679, %get3A_680] : memref<1024x2048xf32, #tpu.memory_space<vmem>>, vector<16x128xf32>
      %add3A_682 = arith.constant 1664 : i32
      %add3A_683 = arith.addi %mul3A_15, %add3A_682 : i32
      %add3A_684 = vector.broadcast %add3A_683 : i32 to vector<16x128xi32>
      %add3A_685 = arith.addi %iota3A, %add3A_684 : vector<16x128xi32>
      %gt3A_686 = arith.cmpf ogt, %get3A_681, %max3A_640 : vector<16x128xf32>
      %max3A_687 = arith.maximumf %get3A_681, %max3A_640 : vector<16x128xf32>
      %min3A_688 = arith.minimumf %get3A_681, %max3A_640 : vector<16x128xf32>
      %select_n3A_689 = arith.select %gt3A_686, %add3A_685, %select_n3A_642 : vector<16x128xi1>, vector<16x128xi32>
      %select_n3A_690 = arith.select %gt3A_686, %select_n3A_642, %add3A_685 : vector<16x128xi1>, vector<16x128xi32>
      %gt3A_691 = arith.cmpf ogt, %min3A_688, %max3A_645 : vector<16x128xf32>
      %max3A_692 = arith.maximumf %min3A_688, %max3A_645 : vector<16x128xf32>
      %min3A_693 = arith.minimumf %min3A_688, %max3A_645 : vector<16x128xf32>
      %select_n3A_694 = arith.select %gt3A_691, %select_n3A_690, %select_n3A_647 : vector<16x128xi1>, vector<16x128xi32>
      %select_n3A_695 = arith.select %gt3A_691, %select_n3A_647, %select_n3A_690 : vector<16x128xi1>, vector<16x128xi32>
      %gt3A_696 = arith.cmpf ogt, %min3A_693, %max3A_650 : vector<16x128xf32>
      %max3A_697 = arith.maximumf %min3A_693, %max3A_650 : vector<16x128xf32>
      %min3A_698 = arith.minimumf %min3A_693, %max3A_650 : vector<16x128xf32>
      %select_n3A_699 = arith.select %gt3A_696, %select_n3A_695, %select_n3A_652 : vector<16x128xi1>, vector<16x128xi32>
      %select_n3A_700 = arith.select %gt3A_696, %select_n3A_652, %select_n3A_695 : vector<16x128xi1>, vector<16x128xi32>
      %gt3A_701 = arith.cmpf ogt, %min3A_698, %max3A_655 : vector<16x128xf32>
      %max3A_702 = arith.maximumf %min3A_698, %max3A_655 : vector<16x128xf32>
      %min3A_703 = arith.minimumf %min3A_698, %max3A_655 : vector<16x128xf32>
      %select_n3A_704 = arith.select %gt3A_701, %select_n3A_700, %select_n3A_657 : vector<16x128xi1>, vector<16x128xi32>
      %select_n3A_705 = arith.select %gt3A_701, %select_n3A_657, %select_n3A_700 : vector<16x128xi1>, vector<16x128xi32>
      %gt3A_706 = arith.cmpf ogt, %min3A_703, %max3A_660 : vector<16x128xf32>
      %max3A_707 = arith.maximumf %min3A_703, %max3A_660 : vector<16x128xf32>
      %min3A_708 = arith.minimumf %min3A_703, %max3A_660 : vector<16x128xf32>
      %select_n3A_709 = arith.select %gt3A_706, %select_n3A_705, %select_n3A_662 : vector<16x128xi1>, vector<16x128xi32>
      %select_n3A_710 = arith.select %gt3A_706, %select_n3A_662, %select_n3A_705 : vector<16x128xi1>, vector<16x128xi32>
      %gt3A_711 = arith.cmpf ogt, %min3A_708, %max3A_665 : vector<16x128xf32>
      %max3A_712 = arith.maximumf %min3A_708, %max3A_665 : vector<16x128xf32>
      %min3A_713 = arith.minimumf %min3A_708, %max3A_665 : vector<16x128xf32>
      %select_n3A_714 = arith.select %gt3A_711, %select_n3A_710, %select_n3A_667 : vector<16x128xi1>, vector<16x128xi32>
      %select_n3A_715 = arith.select %gt3A_711, %select_n3A_667, %select_n3A_710 : vector<16x128xi1>, vector<16x128xi32>
      %gt3A_716 = arith.cmpf ogt, %min3A_713, %max3A_670 : vector<16x128xf32>
      %max3A_717 = arith.maximumf %min3A_713, %max3A_670 : vector<16x128xf32>
      %min3A_718 = arith.minimumf %min3A_713, %max3A_670 : vector<16x128xf32>
      %select_n3A_719 = arith.select %gt3A_716, %select_n3A_715, %select_n3A_672 : vector<16x128xi1>, vector<16x128xi32>
      %select_n3A_720 = arith.select %gt3A_716, %select_n3A_672, %select_n3A_715 : vector<16x128xi1>, vector<16x128xi32>
      %gt3A_721 = arith.cmpf ogt, %min3A_718, %max3A_675 : vector<16x128xf32>
      %max3A_722 = arith.maximumf %min3A_718, %max3A_675 : vector<16x128xf32>
      %min3A_723 = arith.minimumf %min3A_718, %max3A_675 : vector<16x128xf32>
      %select_n3A_724 = arith.select %gt3A_721, %select_n3A_720, %select_n3A_677 : vector<16x128xi1>, vector<16x128xi32>
      %select_n3A_725 = arith.select %gt3A_721, %select_n3A_677, %select_n3A_720 : vector<16x128xi1>, vector<16x128xi32>
      %get3A_726 = arith.index_cast %mul3A_24 : i32 to index
      %get3A_727 = arith.constant 1792 : index
      %get3A_728 = vector.load %arg5[%get3A_726, %get3A_727] : memref<1024x2048xf32, #tpu.memory_space<vmem>>, vector<16x128xf32>
      %add3A_729 = arith.constant 1792 : i32
      %add3A_730 = arith.addi %mul3A_15, %add3A_729 : i32
      %add3A_731 = vector.broadcast %add3A_730 : i32 to vector<16x128xi32>
      %add3A_732 = arith.addi %iota3A, %add3A_731 : vector<16x128xi32>
      %gt3A_733 = arith.cmpf ogt, %get3A_728, %max3A_687 : vector<16x128xf32>
      %max3A_734 = arith.maximumf %get3A_728, %max3A_687 : vector<16x128xf32>
      %min3A_735 = arith.minimumf %get3A_728, %max3A_687 : vector<16x128xf32>
      %select_n3A_736 = arith.select %gt3A_733, %add3A_732, %select_n3A_689 : vector<16x128xi1>, vector<16x128xi32>
      %select_n3A_737 = arith.select %gt3A_733, %select_n3A_689, %add3A_732 : vector<16x128xi1>, vector<16x128xi32>
      %gt3A_738 = arith.cmpf ogt, %min3A_735, %max3A_692 : vector<16x128xf32>
      %max3A_739 = arith.maximumf %min3A_735, %max3A_692 : vector<16x128xf32>
      %min3A_740 = arith.minimumf %min3A_735, %max3A_692 : vector<16x128xf32>
      %select_n3A_741 = arith.select %gt3A_738, %select_n3A_737, %select_n3A_694 : vector<16x128xi1>, vector<16x128xi32>
      %select_n3A_742 = arith.select %gt3A_738, %select_n3A_694, %select_n3A_737 : vector<16x128xi1>, vector<16x128xi32>
      %gt3A_743 = arith.cmpf ogt, %min3A_740, %max3A_697 : vector<16x128xf32>
      %max3A_744 = arith.maximumf %min3A_740, %max3A_697 : vector<16x128xf32>
      %min3A_745 = arith.minimumf %min3A_740, %max3A_697 : vector<16x128xf32>
      %select_n3A_746 = arith.select %gt3A_743, %select_n3A_742, %select_n3A_699 : vector<16x128xi1>, vector<16x128xi32>
      %select_n3A_747 = arith.select %gt3A_743, %select_n3A_699, %select_n3A_742 : vector<16x128xi1>, vector<16x128xi32>
      %gt3A_748 = arith.cmpf ogt, %min3A_745, %max3A_702 : vector<16x128xf32>
      %max3A_749 = arith.maximumf %min3A_745, %max3A_702 : vector<16x128xf32>
      %min3A_750 = arith.minimumf %min3A_745, %max3A_702 : vector<16x128xf32>
      %select_n3A_751 = arith.select %gt3A_748, %select_n3A_747, %select_n3A_704 : vector<16x128xi1>, vector<16x128xi32>
      %select_n3A_752 = arith.select %gt3A_748, %select_n3A_704, %select_n3A_747 : vector<16x128xi1>, vector<16x128xi32>
      %gt3A_753 = arith.cmpf ogt, %min3A_750, %max3A_707 : vector<16x128xf32>
      %max3A_754 = arith.maximumf %min3A_750, %max3A_707 : vector<16x128xf32>
      %min3A_755 = arith.minimumf %min3A_750, %max3A_707 : vector<16x128xf32>
      %select_n3A_756 = arith.select %gt3A_753, %select_n3A_752, %select_n3A_709 : vector<16x128xi1>, vector<16x128xi32>
      %select_n3A_757 = arith.select %gt3A_753, %select_n3A_709, %select_n3A_752 : vector<16x128xi1>, vector<16x128xi32>
      %gt3A_758 = arith.cmpf ogt, %min3A_755, %max3A_712 : vector<16x128xf32>
      %max3A_759 = arith.maximumf %min3A_755, %max3A_712 : vector<16x128xf32>
      %min3A_760 = arith.minimumf %min3A_755, %max3A_712 : vector<16x128xf32>
      %select_n3A_761 = arith.select %gt3A_758, %select_n3A_757, %select_n3A_714 : vector<16x128xi1>, vector<16x128xi32>
      %select_n3A_762 = arith.select %gt3A_758, %select_n3A_714, %select_n3A_757 : vector<16x128xi1>, vector<16x128xi32>
      %gt3A_763 = arith.cmpf ogt, %min3A_760, %max3A_717 : vector<16x128xf32>
      %max3A_764 = arith.maximumf %min3A_760, %max3A_717 : vector<16x128xf32>
      %min3A_765 = arith.minimumf %min3A_760, %max3A_717 : vector<16x128xf32>
      %select_n3A_766 = arith.select %gt3A_763, %select_n3A_762, %select_n3A_719 : vector<16x128xi1>, vector<16x128xi32>
      %select_n3A_767 = arith.select %gt3A_763, %select_n3A_719, %select_n3A_762 : vector<16x128xi1>, vector<16x128xi32>
      %gt3A_768 = arith.cmpf ogt, %min3A_765, %max3A_722 : vector<16x128xf32>
      %max3A_769 = arith.maximumf %min3A_765, %max3A_722 : vector<16x128xf32>
      %min3A_770 = arith.minimumf %min3A_765, %max3A_722 : vector<16x128xf32>
      %select_n3A_771 = arith.select %gt3A_768, %select_n3A_767, %select_n3A_724 : vector<16x128xi1>, vector<16x128xi32>
      %select_n3A_772 = arith.select %gt3A_768, %select_n3A_724, %select_n3A_767 : vector<16x128xi1>, vector<16x128xi32>
      %get3A_773 = arith.index_cast %mul3A_24 : i32 to index
      %get3A_774 = arith.constant 1920 : index
      %get3A_775 = vector.load %arg5[%get3A_773, %get3A_774] : memref<1024x2048xf32, #tpu.memory_space<vmem>>, vector<16x128xf32>
      %add3A_776 = arith.constant 1920 : i32
      %add3A_777 = arith.addi %mul3A_15, %add3A_776 : i32
      %add3A_778 = vector.broadcast %add3A_777 : i32 to vector<16x128xi32>
      %add3A_779 = arith.addi %iota3A, %add3A_778 : vector<16x128xi32>
      %gt3A_780 = arith.cmpf ogt, %get3A_775, %max3A_734 : vector<16x128xf32>
      %max3A_781 = arith.maximumf %get3A_775, %max3A_734 : vector<16x128xf32>
      %min3A_782 = arith.minimumf %get3A_775, %max3A_734 : vector<16x128xf32>
      %select_n3A_783 = arith.select %gt3A_780, %add3A_779, %select_n3A_736 : vector<16x128xi1>, vector<16x128xi32>
      %select_n3A_784 = arith.select %gt3A_780, %select_n3A_736, %add3A_779 : vector<16x128xi1>, vector<16x128xi32>
      %gt3A_785 = arith.cmpf ogt, %min3A_782, %max3A_739 : vector<16x128xf32>
      %max3A_786 = arith.maximumf %min3A_782, %max3A_739 : vector<16x128xf32>
      %min3A_787 = arith.minimumf %min3A_782, %max3A_739 : vector<16x128xf32>
      %select_n3A_788 = arith.select %gt3A_785, %select_n3A_784, %select_n3A_741 : vector<16x128xi1>, vector<16x128xi32>
      %select_n3A_789 = arith.select %gt3A_785, %select_n3A_741, %select_n3A_784 : vector<16x128xi1>, vector<16x128xi32>
      %gt3A_790 = arith.cmpf ogt, %min3A_787, %max3A_744 : vector<16x128xf32>
      %max3A_791 = arith.maximumf %min3A_787, %max3A_744 : vector<16x128xf32>
      %min3A_792 = arith.minimumf %min3A_787, %max3A_744 : vector<16x128xf32>
      %select_n3A_793 = arith.select %gt3A_790, %select_n3A_789, %select_n3A_746 : vector<16x128xi1>, vector<16x128xi32>
      %select_n3A_794 = arith.select %gt3A_790, %select_n3A_746, %select_n3A_789 : vector<16x128xi1>, vector<16x128xi32>
      %gt3A_795 = arith.cmpf ogt, %min3A_792, %max3A_749 : vector<16x128xf32>
      %max3A_796 = arith.maximumf %min3A_792, %max3A_749 : vector<16x128xf32>
      %min3A_797 = arith.minimumf %min3A_792, %max3A_749 : vector<16x128xf32>
      %select_n3A_798 = arith.select %gt3A_795, %select_n3A_794, %select_n3A_751 : vector<16x128xi1>, vector<16x128xi32>
      %select_n3A_799 = arith.select %gt3A_795, %select_n3A_751, %select_n3A_794 : vector<16x128xi1>, vector<16x128xi32>
      %gt3A_800 = arith.cmpf ogt, %min3A_797, %max3A_754 : vector<16x128xf32>
      %max3A_801 = arith.maximumf %min3A_797, %max3A_754 : vector<16x128xf32>
      %min3A_802 = arith.minimumf %min3A_797, %max3A_754 : vector<16x128xf32>
      %select_n3A_803 = arith.select %gt3A_800, %select_n3A_799, %select_n3A_756 : vector<16x128xi1>, vector<16x128xi32>
      %select_n3A_804 = arith.select %gt3A_800, %select_n3A_756, %select_n3A_799 : vector<16x128xi1>, vector<16x128xi32>
      %gt3A_805 = arith.cmpf ogt, %min3A_802, %max3A_759 : vector<16x128xf32>
      %max3A_806 = arith.maximumf %min3A_802, %max3A_759 : vector<16x128xf32>
      %min3A_807 = arith.minimumf %min3A_802, %max3A_759 : vector<16x128xf32>
      %select_n3A_808 = arith.select %gt3A_805, %select_n3A_804, %select_n3A_761 : vector<16x128xi1>, vector<16x128xi32>
      %select_n3A_809 = arith.select %gt3A_805, %select_n3A_761, %select_n3A_804 : vector<16x128xi1>, vector<16x128xi32>
      %gt3A_810 = arith.cmpf ogt, %min3A_807, %max3A_764 : vector<16x128xf32>
      %max3A_811 = arith.maximumf %min3A_807, %max3A_764 : vector<16x128xf32>
      %min3A_812 = arith.minimumf %min3A_807, %max3A_764 : vector<16x128xf32>
      %select_n3A_813 = arith.select %gt3A_810, %select_n3A_809, %select_n3A_766 : vector<16x128xi1>, vector<16x128xi32>
      %select_n3A_814 = arith.select %gt3A_810, %select_n3A_766, %select_n3A_809 : vector<16x128xi1>, vector<16x128xi32>
      %gt3A_815 = arith.cmpf ogt, %min3A_812, %max3A_769 : vector<16x128xf32>
      %max3A_816 = arith.maximumf %min3A_812, %max3A_769 : vector<16x128xf32>
      %min3A_817 = arith.minimumf %min3A_812, %max3A_769 : vector<16x128xf32>
      %select_n3A_818 = arith.select %gt3A_815, %select_n3A_814, %select_n3A_771 : vector<16x128xi1>, vector<16x128xi32>
      %select_n3A_819 = arith.select %gt3A_815, %select_n3A_771, %select_n3A_814 : vector<16x128xi1>, vector<16x128xi32>
      %swap3A_820 = arith.index_cast %mul3A_24 : i32 to index
      %swap3A_821 = arith.constant 0 : index
      %swap3A_822 = vector.load %arg6[%swap3A_820, %swap3A_821] : memref<1024x1024xf32, #tpu.memory_space<vmem>>, vector<16x128xf32>
      tpu.vector_store %arg6[%swap3A_820, %swap3A_821], %max3A_781 {strides = array<i32>} : memref<1024x1024xf32, #tpu.memory_space<vmem>>, vector<16x128xf32>,
      %swap3A_823 = arith.index_cast %mul3A_24 : i32 to index
      %swap3A_824 = arith.constant 0 : index
      %swap3A_825 = vector.load %arg7[%swap3A_823, %swap3A_824] : memref<1024x1024xi32, #tpu.memory_space<vmem>>, vector<16x128xi32>
      tpu.vector_store %arg7[%swap3A_823, %swap3A_824], %select_n3A_783 {strides = array<i32>} : memref<1024x1024xi32, #tpu.memory_space<vmem>>, vector<16x128xi32>,
      %swap3A_826 = arith.index_cast %mul3A_24 : i32 to index
      %swap3A_827 = arith.constant 128 : index
      %swap3A_828 = vector.load %arg6[%swap3A_826, %swap3A_827] : memref<1024x1024xf32, #tpu.memory_space<vmem>>, vector<16x128xf32>
      tpu.vector_store %arg6[%swap3A_826, %swap3A_827], %max3A_786 {strides = array<i32>} : memref<1024x1024xf32, #tpu.memory_space<vmem>>, vector<16x128xf32>,
      %swap3A_829 = arith.index_cast %mul3A_24 : i32 to index
      %swap3A_830 = arith.constant 128 : index
      %swap3A_831 = vector.load %arg7[%swap3A_829, %swap3A_830] : memref<1024x1024xi32, #tpu.memory_space<vmem>>, vector<16x128xi32>
      tpu.vector_store %arg7[%swap3A_829, %swap3A_830], %select_n3A_788 {strides = array<i32>} : memref<1024x1024xi32, #tpu.memory_space<vmem>>, vector<16x128xi32>,
      %swap3A_832 = arith.index_cast %mul3A_24 : i32 to index
      %swap3A_833 = arith.constant 256 : index
      %swap3A_834 = vector.load %arg6[%swap3A_832, %swap3A_833] : memref<1024x1024xf32, #tpu.memory_space<vmem>>, vector<16x128xf32>
      tpu.vector_store %arg6[%swap3A_832, %swap3A_833], %max3A_791 {strides = array<i32>} : memref<1024x1024xf32, #tpu.memory_space<vmem>>, vector<16x128xf32>,
      %swap3A_835 = arith.index_cast %mul3A_24 : i32 to index
      %swap3A_836 = arith.constant 256 : index
      %swap3A_837 = vector.load %arg7[%swap3A_835, %swap3A_836] : memref<1024x1024xi32, #tpu.memory_space<vmem>>, vector<16x128xi32>
      tpu.vector_store %arg7[%swap3A_835, %swap3A_836], %select_n3A_793 {strides = array<i32>} : memref<1024x1024xi32, #tpu.memory_space<vmem>>, vector<16x128xi32>,
      %swap3A_838 = arith.index_cast %mul3A_24 : i32 to index
      %swap3A_839 = arith.constant 384 : index
      %swap3A_840 = vector.load %arg6[%swap3A_838, %swap3A_839] : memref<1024x1024xf32, #tpu.memory_space<vmem>>, vector<16x128xf32>
      tpu.vector_store %arg6[%swap3A_838, %swap3A_839], %max3A_796 {strides = array<i32>} : memref<1024x1024xf32, #tpu.memory_space<vmem>>, vector<16x128xf32>,
      %swap3A_841 = arith.index_cast %mul3A_24 : i32 to index
      %swap3A_842 = arith.constant 384 : index
      %swap3A_843 = vector.load %arg7[%swap3A_841, %swap3A_842] : memref<1024x1024xi32, #tpu.memory_space<vmem>>, vector<16x128xi32>
      tpu.vector_store %arg7[%swap3A_841, %swap3A_842], %select_n3A_798 {strides = array<i32>} : memref<1024x1024xi32, #tpu.memory_space<vmem>>, vector<16x128xi32>,
      %swap3A_844 = arith.index_cast %mul3A_24 : i32 to index
      %swap3A_845 = arith.constant 512 : index
      %swap3A_846 = vector.load %arg6[%swap3A_844, %swap3A_845] : memref<1024x1024xf32, #tpu.memory_space<vmem>>, vector<16x128xf32>
      tpu.vector_store %arg6[%swap3A_844, %swap3A_845], %max3A_801 {strides = array<i32>} : memref<1024x1024xf32, #tpu.memory_space<vmem>>, vector<16x128xf32>,
      %swap3A_847 = arith.index_cast %mul3A_24 : i32 to index
      %swap3A_848 = arith.constant 512 : index
      %swap3A_849 = vector.load %arg7[%swap3A_847, %swap3A_848] : memref<1024x1024xi32, #tpu.memory_space<vmem>>, vector<16x128xi32>
      tpu.vector_store %arg7[%swap3A_847, %swap3A_848], %select_n3A_803 {strides = array<i32>} : memref<1024x1024xi32, #tpu.memory_space<vmem>>, vector<16x128xi32>,
      %swap3A_850 = arith.index_cast %mul3A_24 : i32 to index
      %swap3A_851 = arith.constant 640 : index
      %swap3A_852 = vector.load %arg6[%swap3A_850, %swap3A_851] : memref<1024x1024xf32, #tpu.memory_space<vmem>>, vector<16x128xf32>
      tpu.vector_store %arg6[%swap3A_850, %swap3A_851], %max3A_806 {strides = array<i32>} : memref<1024x1024xf32, #tpu.memory_space<vmem>>, vector<16x128xf32>,
      %swap3A_853 = arith.index_cast %mul3A_24 : i32 to index
      %swap3A_854 = arith.constant 640 : index
      %swap3A_855 = vector.load %arg7[%swap3A_853, %swap3A_854] : memref<1024x1024xi32, #tpu.memory_space<vmem>>, vector<16x128xi32>
      tpu.vector_store %arg7[%swap3A_853, %swap3A_854], %select_n3A_808 {strides = array<i32>} : memref<1024x1024xi32, #tpu.memory_space<vmem>>, vector<16x128xi32>,
      %swap3A_856 = arith.index_cast %mul3A_24 : i32 to index
      %swap3A_857 = arith.constant 768 : index
      %swap3A_858 = vector.load %arg6[%swap3A_856, %swap3A_857] : memref<1024x1024xf32, #tpu.memory_space<vmem>>, vector<16x128xf32>
      tpu.vector_store %arg6[%swap3A_856, %swap3A_857], %max3A_811 {strides = array<i32>} : memref<1024x1024xf32, #tpu.memory_space<vmem>>, vector<16x128xf32>,
      %swap3A_859 = arith.index_cast %mul3A_24 : i32 to index
      %swap3A_860 = arith.constant 768 : index
      %swap3A_861 = vector.load %arg7[%swap3A_859, %swap3A_860] : memref<1024x1024xi32, #tpu.memory_space<vmem>>, vector<16x128xi32>
      tpu.vector_store %arg7[%swap3A_859, %swap3A_860], %select_n3A_813 {strides = array<i32>} : memref<1024x1024xi32, #tpu.memory_space<vmem>>, vector<16x128xi32>,
      %swap3A_862 = arith.index_cast %mul3A_24 : i32 to index
      %swap3A_863 = arith.constant 896 : index
      %swap3A_864 = vector.load %arg6[%swap3A_862, %swap3A_863] : memref<1024x1024xf32, #tpu.memory_space<vmem>>, vector<16x128xf32>
      tpu.vector_store %arg6[%swap3A_862, %swap3A_863], %max3A_816 {strides = array<i32>} : memref<1024x1024xf32, #tpu.memory_space<vmem>>, vector<16x128xf32>,
      %swap3A_865 = arith.index_cast %mul3A_24 : i32 to index
      %swap3A_866 = arith.constant 896 : index
      %swap3A_867 = vector.load %arg7[%swap3A_865, %swap3A_866] : memref<1024x1024xi32, #tpu.memory_space<vmem>>, vector<16x128xi32>
      tpu.vector_store %arg7[%swap3A_865, %swap3A_866], %select_n3A_818 {strides = array<i32>} : memref<1024x1024xi32, #tpu.memory_space<vmem>>, vector<16x128xi32>,
      %add3A_868 = arith.constant 1 : i32
      %add3A_869 = arith.addi %while3A_22, %add3A_868 : i32
      scf.yield %add3A_869 : i32
    }
    %eq3A_17 = arith.constant 48 : i32
    %eq3A_18 = arith.cmpi eq, %arg0, %eq3A_17 : i32
    %convert_element_type3A_19 = arith.extui %eq3A_18 : i1 to i32
    %cond3A_20 = arith.constant 0 : i32
    %cond3A_21 = arith.cmpi ne, %convert_element_type3A_19, %cond3A_20 : i32
    scf.if %cond3A_21 {
      %get3A_22 = arith.constant 0 : index
      %get3A_23 = arith.constant 0 : index
      %get3A_24 = vector.load %arg6[%get3A_22, %get3A_23] : memref<1024x1024xf32, #tpu.memory_space<vmem>>, vector<1024x1024xf32>
      %get3A_25 = arith.constant 0 : index
      %get3A_26 = arith.constant 0 : index
      %get3A_27 = vector.load %arg7[%get3A_25, %get3A_26] : memref<1024x1024xi32, #tpu.memory_space<vmem>>, vector<1024x1024xi32>
      %reduce_max3A = arith.constant dense<0xFF800000> : vector<1024xf32>
      %reduce_max3A_28 = vector.multi_reduction <maximumf>, %get3A_24, %reduce_max3A [1] : vector<1024x1024xf32> to vector<1024xf32>
      %broadcast_in_dim3A = vector.shape_cast %reduce_max3A_28 : vector<1024xf32> to vector<1024x1xf32>
      %eq3A_29 = vector.broadcast %broadcast_in_dim3A : vector<1024x1xf32> to vector<1024x1024xf32>
      %eq3A_30 = arith.cmpf oeq, %get3A_24, %eq3A_29 : vector<1024x1024xf32>
      %jit3A = arith.constant 1073741824 : i32
      %broadcast_in_dim3A_31 = vector.broadcast %jit3A : i32 to vector<1024x1024xi32>
      %select_n3A = arith.select %eq3A_30, %get3A_27, %broadcast_in_dim3A_31 : vector<1024x1024xi1>, vector<1024x1024xi32>
      %reduce_min3A = arith.constant dense<2147483647> : vector<1024xi32>
      %reduce_min3A_32 = vector.multi_reduction <minsi>, %select_n3A, %reduce_min3A [1] : vector<1024x1024xi32> to vector<1024xi32>
      %broadcast_in_dim3A_33 = vector.shape_cast %reduce_min3A_32 : vector<1024xi32> to vector<1024x1xi32>
      %eq3A_34 = vector.broadcast %broadcast_in_dim3A_33 : vector<1024x1xi32> to vector<1024x1024xi32>
      %eq3A_35 = arith.cmpi eq, %get3A_27, %eq3A_34 : vector<1024x1024xi32>
      %jit3A_36 = arith.constant -3.000000e+38 : f32
      %broadcast_in_dim3A_37 = vector.broadcast %jit3A_36 : f32 to vector<1024x1024xf32>
      %select_n3A_38 = arith.select %eq3A_35, %broadcast_in_dim3A_37, %get3A_24 : vector<1024x1024xi1>, vector<1024x1024xf32>
      %reduce_max3A_39 = arith.constant dense<0xFF800000> : vector<1024xf32>
      %reduce_max3A_40 = vector.multi_reduction <maximumf>, %select_n3A_38, %reduce_max3A_39 [1] : vector<1024x1024xf32> to vector<1024xf32>
      %broadcast_in_dim3A_41 = vector.shape_cast %reduce_max3A_40 : vector<1024xf32> to vector<1024x1xf32>
      %eq3A_42 = vector.broadcast %broadcast_in_dim3A_41 : vector<1024x1xf32> to vector<1024x1024xf32>
      %eq3A_43 = arith.cmpf oeq, %select_n3A_38, %eq3A_42 : vector<1024x1024xf32>
      %jit3A_44 = arith.constant 1073741824 : i32
      %broadcast_in_dim3A_45 = vector.broadcast %jit3A_44 : i32 to vector<1024x1024xi32>
      %select_n3A_46 = arith.select %eq3A_43, %get3A_27, %broadcast_in_dim3A_45 : vector<1024x1024xi1>, vector<1024x1024xi32>
      %reduce_min3A_47 = arith.constant dense<2147483647> : vector<1024xi32>
      %reduce_min3A_48 = vector.multi_reduction <minsi>, %select_n3A_46, %reduce_min3A_47 [1] : vector<1024x1024xi32> to vector<1024xi32>
      %broadcast_in_dim3A_49 = vector.shape_cast %reduce_min3A_48 : vector<1024xi32> to vector<1024x1xi32>
      %eq3A_50 = vector.broadcast %broadcast_in_dim3A_49 : vector<1024x1xi32> to vector<1024x1024xi32>
      %eq3A_51 = arith.cmpi eq, %get3A_27, %eq3A_50 : vector<1024x1024xi32>
      %jit3A_52 = arith.constant -3.000000e+38 : f32
      %broadcast_in_dim3A_53 = vector.broadcast %jit3A_52 : f32 to vector<1024x1024xf32>
      %select_n3A_54 = arith.select %eq3A_51, %broadcast_in_dim3A_53, %select_n3A_38 : vector<1024x1024xi1>, vector<1024x1024xf32>
      %reduce_max3A_55 = arith.constant dense<0xFF800000> : vector<1024xf32>
      %reduce_max3A_56 = vector.multi_reduction <maximumf>, %select_n3A_54, %reduce_max3A_55 [1] : vector<1024x1024xf32> to vector<1024xf32>
      %broadcast_in_dim3A_57 = vector.shape_cast %reduce_max3A_56 : vector<1024xf32> to vector<1024x1xf32>
      %eq3A_58 = vector.broadcast %broadcast_in_dim3A_57 : vector<1024x1xf32> to vector<1024x1024xf32>
      %eq3A_59 = arith.cmpf oeq, %select_n3A_54, %eq3A_58 : vector<1024x1024xf32>
      %jit3A_60 = arith.constant 1073741824 : i32
      %broadcast_in_dim3A_61 = vector.broadcast %jit3A_60 : i32 to vector<1024x1024xi32>
      %select_n3A_62 = arith.select %eq3A_59, %get3A_27, %broadcast_in_dim3A_61 : vector<1024x1024xi1>, vector<1024x1024xi32>
      %reduce_min3A_63 = arith.constant dense<2147483647> : vector<1024xi32>
      %reduce_min3A_64 = vector.multi_reduction <minsi>, %select_n3A_62, %reduce_min3A_63 [1] : vector<1024x1024xi32> to vector<1024xi32>
      %broadcast_in_dim3A_65 = vector.shape_cast %reduce_min3A_64 : vector<1024xi32> to vector<1024x1xi32>
      %eq3A_66 = vector.broadcast %broadcast_in_dim3A_65 : vector<1024x1xi32> to vector<1024x1024xi32>
      %eq3A_67 = arith.cmpi eq, %get3A_27, %eq3A_66 : vector<1024x1024xi32>
      %jit3A_68 = arith.constant -3.000000e+38 : f32
      %broadcast_in_dim3A_69 = vector.broadcast %jit3A_68 : f32 to vector<1024x1024xf32>
      %select_n3A_70 = arith.select %eq3A_67, %broadcast_in_dim3A_69, %select_n3A_54 : vector<1024x1024xi1>, vector<1024x1024xf32>
      %reduce_max3A_71 = arith.constant dense<0xFF800000> : vector<1024xf32>
      %reduce_max3A_72 = vector.multi_reduction <maximumf>, %select_n3A_70, %reduce_max3A_71 [1] : vector<1024x1024xf32> to vector<1024xf32>
      %broadcast_in_dim3A_73 = vector.shape_cast %reduce_max3A_72 : vector<1024xf32> to vector<1024x1xf32>
      %eq3A_74 = vector.broadcast %broadcast_in_dim3A_73 : vector<1024x1xf32> to vector<1024x1024xf32>
      %eq3A_75 = arith.cmpf oeq, %select_n3A_70, %eq3A_74 : vector<1024x1024xf32>
      %jit3A_76 = arith.constant 1073741824 : i32
      %broadcast_in_dim3A_77 = vector.broadcast %jit3A_76 : i32 to vector<1024x1024xi32>
      %select_n3A_78 = arith.select %eq3A_75, %get3A_27, %broadcast_in_dim3A_77 : vector<1024x1024xi1>, vector<1024x1024xi32>
      %reduce_min3A_79 = arith.constant dense<2147483647> : vector<1024xi32>
      %reduce_min3A_80 = vector.multi_reduction <minsi>, %select_n3A_78, %reduce_min3A_79 [1] : vector<1024x1024xi32> to vector<1024xi32>
      %broadcast_in_dim3A_81 = vector.shape_cast %reduce_min3A_80 : vector<1024xi32> to vector<1024x1xi32>
      %eq3A_82 = vector.broadcast %broadcast_in_dim3A_81 : vector<1024x1xi32> to vector<1024x1024xi32>
      %eq3A_83 = arith.cmpi eq, %get3A_27, %eq3A_82 : vector<1024x1024xi32>
      %jit3A_84 = arith.constant -3.000000e+38 : f32
      %broadcast_in_dim3A_85 = vector.broadcast %jit3A_84 : f32 to vector<1024x1024xf32>
      %select_n3A_86 = arith.select %eq3A_83, %broadcast_in_dim3A_85, %select_n3A_70 : vector<1024x1024xi1>, vector<1024x1024xf32>
      %reduce_max3A_87 = arith.constant dense<0xFF800000> : vector<1024xf32>
      %reduce_max3A_88 = vector.multi_reduction <maximumf>, %select_n3A_86, %reduce_max3A_87 [1] : vector<1024x1024xf32> to vector<1024xf32>
      %broadcast_in_dim3A_89 = vector.shape_cast %reduce_max3A_88 : vector<1024xf32> to vector<1024x1xf32>
      %eq3A_90 = vector.broadcast %broadcast_in_dim3A_89 : vector<1024x1xf32> to vector<1024x1024xf32>
      %eq3A_91 = arith.cmpf oeq, %select_n3A_86, %eq3A_90 : vector<1024x1024xf32>
      %jit3A_92 = arith.constant 1073741824 : i32
      %broadcast_in_dim3A_93 = vector.broadcast %jit3A_92 : i32 to vector<1024x1024xi32>
      %select_n3A_94 = arith.select %eq3A_91, %get3A_27, %broadcast_in_dim3A_93 : vector<1024x1024xi1>, vector<1024x1024xi32>
      %reduce_min3A_95 = arith.constant dense<2147483647> : vector<1024xi32>
      %reduce_min3A_96 = vector.multi_reduction <minsi>, %select_n3A_94, %reduce_min3A_95 [1] : vector<1024x1024xi32> to vector<1024xi32>
      %broadcast_in_dim3A_97 = vector.shape_cast %reduce_min3A_96 : vector<1024xi32> to vector<1024x1xi32>
      %eq3A_98 = vector.broadcast %broadcast_in_dim3A_97 : vector<1024x1xi32> to vector<1024x1024xi32>
      %eq3A_99 = arith.cmpi eq, %get3A_27, %eq3A_98 : vector<1024x1024xi32>
      %jit3A_100 = arith.constant -3.000000e+38 : f32
      %broadcast_in_dim3A_101 = vector.broadcast %jit3A_100 : f32 to vector<1024x1024xf32>
      %select_n3A_102 = arith.select %eq3A_99, %broadcast_in_dim3A_101, %select_n3A_86 : vector<1024x1024xi1>, vector<1024x1024xf32>
      %reduce_max3A_103 = arith.constant dense<0xFF800000> : vector<1024xf32>
      %reduce_max3A_104 = vector.multi_reduction <maximumf>, %select_n3A_102, %reduce_max3A_103 [1] : vector<1024x1024xf32> to vector<1024xf32>
      %broadcast_in_dim3A_105 = vector.shape_cast %reduce_max3A_104 : vector<1024xf32> to vector<1024x1xf32>
      %eq3A_106 = vector.broadcast %broadcast_in_dim3A_105 : vector<1024x1xf32> to vector<1024x1024xf32>
      %eq3A_107 = arith.cmpf oeq, %select_n3A_102, %eq3A_106 : vector<1024x1024xf32>
      %jit3A_108 = arith.constant 1073741824 : i32
      %broadcast_in_dim3A_109 = vector.broadcast %jit3A_108 : i32 to vector<1024x1024xi32>
      %select_n3A_110 = arith.select %eq3A_107, %get3A_27, %broadcast_in_dim3A_109 : vector<1024x1024xi1>, vector<1024x1024xi32>
      %reduce_min3A_111 = arith.constant dense<2147483647> : vector<1024xi32>
      %reduce_min3A_112 = vector.multi_reduction <minsi>, %select_n3A_110, %reduce_min3A_111 [1] : vector<1024x1024xi32> to vector<1024xi32>
      %broadcast_in_dim3A_113 = vector.shape_cast %reduce_min3A_112 : vector<1024xi32> to vector<1024x1xi32>
      %eq3A_114 = vector.broadcast %broadcast_in_dim3A_113 : vector<1024x1xi32> to vector<1024x1024xi32>
      %eq3A_115 = arith.cmpi eq, %get3A_27, %eq3A_114 : vector<1024x1024xi32>
      %jit3A_116 = arith.constant -3.000000e+38 : f32
      %broadcast_in_dim3A_117 = vector.broadcast %jit3A_116 : f32 to vector<1024x1024xf32>
      %select_n3A_118 = arith.select %eq3A_115, %broadcast_in_dim3A_117, %select_n3A_102 : vector<1024x1024xi1>, vector<1024x1024xf32>
      %reduce_max3A_119 = arith.constant dense<0xFF800000> : vector<1024xf32>
      %reduce_max3A_120 = vector.multi_reduction <maximumf>, %select_n3A_118, %reduce_max3A_119 [1] : vector<1024x1024xf32> to vector<1024xf32>
      %broadcast_in_dim3A_121 = vector.shape_cast %reduce_max3A_120 : vector<1024xf32> to vector<1024x1xf32>
      %eq3A_122 = vector.broadcast %broadcast_in_dim3A_121 : vector<1024x1xf32> to vector<1024x1024xf32>
      %eq3A_123 = arith.cmpf oeq, %select_n3A_118, %eq3A_122 : vector<1024x1024xf32>
      %jit3A_124 = arith.constant 1073741824 : i32
      %broadcast_in_dim3A_125 = vector.broadcast %jit3A_124 : i32 to vector<1024x1024xi32>
      %select_n3A_126 = arith.select %eq3A_123, %get3A_27, %broadcast_in_dim3A_125 : vector<1024x1024xi1>, vector<1024x1024xi32>
      %reduce_min3A_127 = arith.constant dense<2147483647> : vector<1024xi32>
      %reduce_min3A_128 = vector.multi_reduction <minsi>, %select_n3A_126, %reduce_min3A_127 [1] : vector<1024x1024xi32> to vector<1024xi32>
      %broadcast_in_dim3A_129 = vector.shape_cast %reduce_min3A_128 : vector<1024xi32> to vector<1024x1xi32>
      %eq3A_130 = vector.broadcast %broadcast_in_dim3A_129 : vector<1024x1xi32> to vector<1024x1024xi32>
      %eq3A_131 = arith.cmpi eq, %get3A_27, %eq3A_130 : vector<1024x1024xi32>
      %jit3A_132 = arith.constant -3.000000e+38 : f32
      %broadcast_in_dim3A_133 = vector.broadcast %jit3A_132 : f32 to vector<1024x1024xf32>
      %select_n3A_134 = arith.select %eq3A_131, %broadcast_in_dim3A_133, %select_n3A_118 : vector<1024x1024xi1>, vector<1024x1024xf32>
      %reduce_max3A_135 = arith.constant dense<0xFF800000> : vector<1024xf32>
      %reduce_max3A_136 = vector.multi_reduction <maximumf>, %select_n3A_134, %reduce_max3A_135 [1] : vector<1024x1024xf32> to vector<1024xf32>
      %broadcast_in_dim3A_137 = vector.shape_cast %reduce_max3A_136 : vector<1024xf32> to vector<1024x1xf32>
      %eq3A_138 = vector.broadcast %broadcast_in_dim3A_137 : vector<1024x1xf32> to vector<1024x1024xf32>
      %eq3A_139 = arith.cmpf oeq, %select_n3A_134, %eq3A_138 : vector<1024x1024xf32>
      %jit3A_140 = arith.constant 1073741824 : i32
      %broadcast_in_dim3A_141 = vector.broadcast %jit3A_140 : i32 to vector<1024x1024xi32>
      %select_n3A_142 = arith.select %eq3A_139, %get3A_27, %broadcast_in_dim3A_141 : vector<1024x1024xi1>, vector<1024x1024xi32>
      %reduce_min3A_143 = arith.constant dense<2147483647> : vector<1024xi32>
      %reduce_min3A_144 = vector.multi_reduction <minsi>, %select_n3A_142, %reduce_min3A_143 [1] : vector<1024x1024xi32> to vector<1024xi32>
      %broadcast_in_dim3A_145 = vector.shape_cast %reduce_min3A_144 : vector<1024xi32> to vector<1024x1xi32>
      %concatenate3A = tpu.concatenate %broadcast_in_dim3A, %broadcast_in_dim3A_41, %broadcast_in_dim3A_57, %broadcast_in_dim3A_73, %broadcast_in_dim3A_89, %broadcast_in_dim3A_105, %broadcast_in_dim3A_121, %broadcast_in_dim3A_137 in 1 : vector<1024x1xf32>, vector<1024x1xf32>, vector<1024x1xf32>, vector<1024x1xf32>, vector<1024x1xf32>, vector<1024x1xf32>, vector<1024x1xf32>, vector<1024x1xf32> -> vector<1024x8xf32>
      %concatenate3A_146 = tpu.concatenate %broadcast_in_dim3A_33, %broadcast_in_dim3A_49, %broadcast_in_dim3A_65, %broadcast_in_dim3A_81, %broadcast_in_dim3A_97, %broadcast_in_dim3A_113, %broadcast_in_dim3A_129, %broadcast_in_dim3A_145 in 1 : vector<1024x1xi32>, vector<1024x1xi32>, vector<1024x1xi32>, vector<1024x1xi32>, vector<1024x1xi32>, vector<1024x1xi32>, vector<1024x1xi32>, vector<1024x1xi32> -> vector<1024x8xi32>
      %swap3A_147 = arith.constant 0 : index
      %swap3A_148 = arith.constant 0 : index
      %swap3A_149 = vector.load %arg3[%swap3A_147, %swap3A_148] : memref<1024x8xf32, #tpu.memory_space<vmem>>, vector<1024x8xf32>
      tpu.vector_store %arg3[%swap3A_147, %swap3A_148], %concatenate3A {strides = array<i32>} : memref<1024x8xf32, #tpu.memory_space<vmem>>, vector<1024x8xf32>,
      %swap3A_150 = arith.constant 0 : index
      %swap3A_151 = arith.constant 0 : index
      %swap3A_152 = vector.load %arg4[%swap3A_150, %swap3A_151] : memref<1024x8xi32, #tpu.memory_space<vmem>>, vector<1024x8xi32>
      tpu.vector_store %arg4[%swap3A_150, %swap3A_151], %concatenate3A_146 {strides = array<i32>} : memref<1024x8xi32, #tpu.memory_space<vmem>>, vector<1024x8xi32>,
    } else {
    }
    return
  }
  func.func @transform_0(%arg0: i32) -> (i32, i32) {
    %c0_i32 = arith.constant 0 : i32
    %c0_i32_0 = arith.constant 0 : i32
    %c0_i32_1 = arith.constant 0 : i32
    return %c0_i32, %c0_i32_0 : i32, i32
  }
  func.func @transform_1(%arg0: i32) -> (i32, i32) {
    %c0_i32 = arith.constant 0 : i32
    %c0_i32_0 = arith.constant 0 : i32
    return %arg0, %c0_i32 : i32, i32
  }
  func.func @transform_2(%arg0: i32) -> (i32, i32) {
    %c0_i32 = arith.constant 0 : i32
    %c0_i32_0 = arith.constant 0 : i32
    %c0_i32_1 = arith.constant 0 : i32
    return %c0_i32, %c0_i32_0 : i32, i32
  }
  func.func @transform_3(%arg0: i32) -> (i32, i32) {
    %c0_i32 = arith.constant 0 : i32
    %c0_i32_0 = arith.constant 0 : i32
    %c0_i32_1 = arith.constant 0 : i32
    return %c0_i32, %c0_i32_0 : i32, i32
  }
}

module attributes {stable_mosaic.version = 14 : i64} {
  func.func @_prep_body(%arg0: memref<1024x128xf32, #tpu.memory_space<vmem>>, %arg1: memref<10x1024x128xf32, #tpu.memory_space<vmem>>, %arg2: memref<1024x128xf32, #tpu.memory_space<vmem>>, %arg3: memref<1024x1xf32, #tpu.memory_space<vmem>>, %arg4: memref<128x128xf32, #tpu.memory_space<vmem>>, %arg5: memref<1x128xf32, #tpu.memory_space<vmem>>, %arg6: memref<128x128xf32, #tpu.memory_space<vmem>>, %arg7: memref<1x128xf32, #tpu.memory_space<vmem>>, %arg8: memref<128x128xf32, #tpu.memory_space<vmem>>, %arg9: memref<128x128xf32, #tpu.memory_space<vmem>>, %arg10: memref<1x128xf32, #tpu.memory_space<vmem>>, %arg11: memref<128x64xf32, #tpu.memory_space<vmem>>, %arg12: memref<1x64xf32, #tpu.memory_space<vmem>>, %arg13: memref<128x128xf32, #tpu.memory_space<vmem>>, %arg14: memref<1x128xf32, #tpu.memory_space<vmem>>, %arg15: memref<1024x64xf32, #tpu.memory_space<vmem>>, %arg16: memref<1024x128xf32, #tpu.memory_space<vmem>>) attributes {dimension_semantics = [], scalar_prefetch = 0 : i64, scratch_operands = 0 : i64, tpu.core_type = #tpu.core_type<tc>} {
    %get3A = arith.constant 0 : index
    %get3A_0 = arith.constant 0 : index
    %get3A_1 = vector.load %arg0[%get3A, %get3A_0] : memref<1024x128xf32, #tpu.memory_space<vmem>>, vector<1024x128xf32>
    %get3A_2 = arith.constant 0 : index
    %get3A_3 = arith.constant 0 : index
    %get3A_4 = vector.load %arg4[%get3A_2, %get3A_3] : memref<128x128xf32, #tpu.memory_space<vmem>>, vector<128x128xf32>
    %dot_general3A = arith.constant dense<0.000000e+00> : vector<1024x128xf32>
    %dot_general3A_5 = tpu.matmul %get3A_1, %get3A_4, %dot_general3A {dimension_numbers = #tpu.dot_dimension_numbers<[1], [0], [0], [1], [0, 0, 1, 1], [], []>, transpose_lhs_hint = false} : vector<1024x128xf32>, vector<128x128xf32>, vector<1024x128xf32> -> vector<1024x128xf32>
    %get3A_6 = arith.constant 0 : index
    %get3A_7 = arith.constant 0 : index
    %get3A_8 = vector.load %arg5[%get3A_6, %get3A_7] : memref<1x128xf32, #tpu.memory_space<vmem>>, vector<1x128xf32>
    %add3A = vector.broadcast %get3A_8 : vector<1x128xf32> to vector<1024x128xf32>
    %add3A_9 = arith.addf %dot_general3A_5, %add3A : vector<1024x128xf32>
    %max3A = arith.constant 0.000000e+00 : f32
    %max3A_10 = vector.broadcast %max3A : f32 to vector<1024x128xf32>
    %max3A_11 = arith.maximumf %add3A_9, %max3A_10 : vector<1024x128xf32>
    %get3A_12 = arith.constant 0 : index
    %get3A_13 = arith.constant 0 : index
    %get3A_14 = arith.constant 0 : index
    %get3A_15 = vector.load %arg1[%get3A_12, %get3A_13, %get3A_14] : memref<10x1024x128xf32, #tpu.memory_space<vmem>>, vector<1x1024x128xf32>
    %get3A_16 = vector.shape_cast %get3A_15 : vector<1x1024x128xf32> to vector<1024x128xf32>
    %get3A_17 = arith.constant 0 : index
    %get3A_18 = arith.constant 0 : index
    %get3A_19 = vector.load %arg6[%get3A_17, %get3A_18] : memref<128x128xf32, #tpu.memory_space<vmem>>, vector<128x128xf32>
    %dot_general3A_20 = arith.constant dense<0.000000e+00> : vector<1024x128xf32>
    %dot_general3A_21 = tpu.matmul %get3A_16, %get3A_19, %dot_general3A_20 {dimension_numbers = #tpu.dot_dimension_numbers<[1], [0], [0], [1], [0, 0, 1, 1], [], []>, transpose_lhs_hint = false} : vector<1024x128xf32>, vector<128x128xf32>, vector<1024x128xf32> -> vector<1024x128xf32>
    %get3A_22 = arith.constant 0 : index
    %get3A_23 = arith.constant 0 : index
    %get3A_24 = vector.load %arg7[%get3A_22, %get3A_23] : memref<1x128xf32, #tpu.memory_space<vmem>>, vector<1x128xf32>
    %add3A_25 = vector.broadcast %get3A_24 : vector<1x128xf32> to vector<1024x128xf32>
    %add3A_26 = arith.addf %dot_general3A_21, %add3A_25 : vector<1024x128xf32>
    %max3A_27 = arith.constant 0.000000e+00 : f32
    %max3A_28 = vector.broadcast %max3A_27 : f32 to vector<1024x128xf32>
    %max3A_29 = arith.maximumf %add3A_26, %max3A_28 : vector<1024x128xf32>
    %get3A_30 = arith.constant 1 : index
    %get3A_31 = arith.constant 0 : index
    %get3A_32 = arith.constant 0 : index
    %get3A_33 = vector.load %arg1[%get3A_30, %get3A_31, %get3A_32] : memref<10x1024x128xf32, #tpu.memory_space<vmem>>, vector<1x1024x128xf32>
    %get3A_34 = vector.shape_cast %get3A_33 : vector<1x1024x128xf32> to vector<1024x128xf32>
    %get3A_35 = arith.constant 0 : index
    %get3A_36 = arith.constant 0 : index
    %get3A_37 = vector.load %arg6[%get3A_35, %get3A_36] : memref<128x128xf32, #tpu.memory_space<vmem>>, vector<128x128xf32>
    %dot_general3A_38 = arith.constant dense<0.000000e+00> : vector<1024x128xf32>
    %dot_general3A_39 = tpu.matmul %get3A_34, %get3A_37, %dot_general3A_38 {dimension_numbers = #tpu.dot_dimension_numbers<[1], [0], [0], [1], [0, 0, 1, 1], [], []>, transpose_lhs_hint = false} : vector<1024x128xf32>, vector<128x128xf32>, vector<1024x128xf32> -> vector<1024x128xf32>
    %get3A_40 = arith.constant 0 : index
    %get3A_41 = arith.constant 0 : index
    %get3A_42 = vector.load %arg7[%get3A_40, %get3A_41] : memref<1x128xf32, #tpu.memory_space<vmem>>, vector<1x128xf32>
    %add3A_43 = vector.broadcast %get3A_42 : vector<1x128xf32> to vector<1024x128xf32>
    %add3A_44 = arith.addf %dot_general3A_39, %add3A_43 : vector<1024x128xf32>
    %max3A_45 = arith.constant 0.000000e+00 : f32
    %max3A_46 = vector.broadcast %max3A_45 : f32 to vector<1024x128xf32>
    %max3A_47 = arith.maximumf %add3A_44, %max3A_46 : vector<1024x128xf32>
    %add3A_48 = arith.addf %max3A_29, %max3A_47 : vector<1024x128xf32>
    %get3A_49 = arith.constant 2 : index
    %get3A_50 = arith.constant 0 : index
    %get3A_51 = arith.constant 0 : index
    %get3A_52 = vector.load %arg1[%get3A_49, %get3A_50, %get3A_51] : memref<10x1024x128xf32, #tpu.memory_space<vmem>>, vector<1x1024x128xf32>
    %get3A_53 = vector.shape_cast %get3A_52 : vector<1x1024x128xf32> to vector<1024x128xf32>
    %get3A_54 = arith.constant 0 : index
    %get3A_55 = arith.constant 0 : index
    %get3A_56 = vector.load %arg6[%get3A_54, %get3A_55] : memref<128x128xf32, #tpu.memory_space<vmem>>, vector<128x128xf32>
    %dot_general3A_57 = arith.constant dense<0.000000e+00> : vector<1024x128xf32>
    %dot_general3A_58 = tpu.matmul %get3A_53, %get3A_56, %dot_general3A_57 {dimension_numbers = #tpu.dot_dimension_numbers<[1], [0], [0], [1], [0, 0, 1, 1], [], []>, transpose_lhs_hint = false} : vector<1024x128xf32>, vector<128x128xf32>, vector<1024x128xf32> -> vector<1024x128xf32>
    %get3A_59 = arith.constant 0 : index
    %get3A_60 = arith.constant 0 : index
    %get3A_61 = vector.load %arg7[%get3A_59, %get3A_60] : memref<1x128xf32, #tpu.memory_space<vmem>>, vector<1x128xf32>
    %add3A_62 = vector.broadcast %get3A_61 : vector<1x128xf32> to vector<1024x128xf32>
    %add3A_63 = arith.addf %dot_general3A_58, %add3A_62 : vector<1024x128xf32>
    %max3A_64 = arith.constant 0.000000e+00 : f32
    %max3A_65 = vector.broadcast %max3A_64 : f32 to vector<1024x128xf32>
    %max3A_66 = arith.maximumf %add3A_63, %max3A_65 : vector<1024x128xf32>
    %add3A_67 = arith.addf %add3A_48, %max3A_66 : vector<1024x128xf32>
    %get3A_68 = arith.constant 3 : index
    %get3A_69 = arith.constant 0 : index
    %get3A_70 = arith.constant 0 : index
    %get3A_71 = vector.load %arg1[%get3A_68, %get3A_69, %get3A_70] : memref<10x1024x128xf32, #tpu.memory_space<vmem>>, vector<1x1024x128xf32>
    %get3A_72 = vector.shape_cast %get3A_71 : vector<1x1024x128xf32> to vector<1024x128xf32>
    %get3A_73 = arith.constant 0 : index
    %get3A_74 = arith.constant 0 : index
    %get3A_75 = vector.load %arg6[%get3A_73, %get3A_74] : memref<128x128xf32, #tpu.memory_space<vmem>>, vector<128x128xf32>
    %dot_general3A_76 = arith.constant dense<0.000000e+00> : vector<1024x128xf32>
    %dot_general3A_77 = tpu.matmul %get3A_72, %get3A_75, %dot_general3A_76 {dimension_numbers = #tpu.dot_dimension_numbers<[1], [0], [0], [1], [0, 0, 1, 1], [], []>, transpose_lhs_hint = false} : vector<1024x128xf32>, vector<128x128xf32>, vector<1024x128xf32> -> vector<1024x128xf32>
    %get3A_78 = arith.constant 0 : index
    %get3A_79 = arith.constant 0 : index
    %get3A_80 = vector.load %arg7[%get3A_78, %get3A_79] : memref<1x128xf32, #tpu.memory_space<vmem>>, vector<1x128xf32>
    %add3A_81 = vector.broadcast %get3A_80 : vector<1x128xf32> to vector<1024x128xf32>
    %add3A_82 = arith.addf %dot_general3A_77, %add3A_81 : vector<1024x128xf32>
    %max3A_83 = arith.constant 0.000000e+00 : f32
    %max3A_84 = vector.broadcast %max3A_83 : f32 to vector<1024x128xf32>
    %max3A_85 = arith.maximumf %add3A_82, %max3A_84 : vector<1024x128xf32>
    %add3A_86 = arith.addf %add3A_67, %max3A_85 : vector<1024x128xf32>
    %get3A_87 = arith.constant 4 : index
    %get3A_88 = arith.constant 0 : index
    %get3A_89 = arith.constant 0 : index
    %get3A_90 = vector.load %arg1[%get3A_87, %get3A_88, %get3A_89] : memref<10x1024x128xf32, #tpu.memory_space<vmem>>, vector<1x1024x128xf32>
    %get3A_91 = vector.shape_cast %get3A_90 : vector<1x1024x128xf32> to vector<1024x128xf32>
    %get3A_92 = arith.constant 0 : index
    %get3A_93 = arith.constant 0 : index
    %get3A_94 = vector.load %arg6[%get3A_92, %get3A_93] : memref<128x128xf32, #tpu.memory_space<vmem>>, vector<128x128xf32>
    %dot_general3A_95 = arith.constant dense<0.000000e+00> : vector<1024x128xf32>
    %dot_general3A_96 = tpu.matmul %get3A_91, %get3A_94, %dot_general3A_95 {dimension_numbers = #tpu.dot_dimension_numbers<[1], [0], [0], [1], [0, 0, 1, 1], [], []>, transpose_lhs_hint = false} : vector<1024x128xf32>, vector<128x128xf32>, vector<1024x128xf32> -> vector<1024x128xf32>
    %get3A_97 = arith.constant 0 : index
    %get3A_98 = arith.constant 0 : index
    %get3A_99 = vector.load %arg7[%get3A_97, %get3A_98] : memref<1x128xf32, #tpu.memory_space<vmem>>, vector<1x128xf32>
    %add3A_100 = vector.broadcast %get3A_99 : vector<1x128xf32> to vector<1024x128xf32>
    %add3A_101 = arith.addf %dot_general3A_96, %add3A_100 : vector<1024x128xf32>
    %max3A_102 = arith.constant 0.000000e+00 : f32
    %max3A_103 = vector.broadcast %max3A_102 : f32 to vector<1024x128xf32>
    %max3A_104 = arith.maximumf %add3A_101, %max3A_103 : vector<1024x128xf32>
    %add3A_105 = arith.addf %add3A_86, %max3A_104 : vector<1024x128xf32>
    %get3A_106 = arith.constant 5 : index
    %get3A_107 = arith.constant 0 : index
    %get3A_108 = arith.constant 0 : index
    %get3A_109 = vector.load %arg1[%get3A_106, %get3A_107, %get3A_108] : memref<10x1024x128xf32, #tpu.memory_space<vmem>>, vector<1x1024x128xf32>
    %get3A_110 = vector.shape_cast %get3A_109 : vector<1x1024x128xf32> to vector<1024x128xf32>
    %get3A_111 = arith.constant 0 : index
    %get3A_112 = arith.constant 0 : index
    %get3A_113 = vector.load %arg6[%get3A_111, %get3A_112] : memref<128x128xf32, #tpu.memory_space<vmem>>, vector<128x128xf32>
    %dot_general3A_114 = arith.constant dense<0.000000e+00> : vector<1024x128xf32>
    %dot_general3A_115 = tpu.matmul %get3A_110, %get3A_113, %dot_general3A_114 {dimension_numbers = #tpu.dot_dimension_numbers<[1], [0], [0], [1], [0, 0, 1, 1], [], []>, transpose_lhs_hint = false} : vector<1024x128xf32>, vector<128x128xf32>, vector<1024x128xf32> -> vector<1024x128xf32>
    %get3A_116 = arith.constant 0 : index
    %get3A_117 = arith.constant 0 : index
    %get3A_118 = vector.load %arg7[%get3A_116, %get3A_117] : memref<1x128xf32, #tpu.memory_space<vmem>>, vector<1x128xf32>
    %add3A_119 = vector.broadcast %get3A_118 : vector<1x128xf32> to vector<1024x128xf32>
    %add3A_120 = arith.addf %dot_general3A_115, %add3A_119 : vector<1024x128xf32>
    %max3A_121 = arith.constant 0.000000e+00 : f32
    %max3A_122 = vector.broadcast %max3A_121 : f32 to vector<1024x128xf32>
    %max3A_123 = arith.maximumf %add3A_120, %max3A_122 : vector<1024x128xf32>
    %add3A_124 = arith.addf %add3A_105, %max3A_123 : vector<1024x128xf32>
    %get3A_125 = arith.constant 6 : index
    %get3A_126 = arith.constant 0 : index
    %get3A_127 = arith.constant 0 : index
    %get3A_128 = vector.load %arg1[%get3A_125, %get3A_126, %get3A_127] : memref<10x1024x128xf32, #tpu.memory_space<vmem>>, vector<1x1024x128xf32>
    %get3A_129 = vector.shape_cast %get3A_128 : vector<1x1024x128xf32> to vector<1024x128xf32>
    %get3A_130 = arith.constant 0 : index
    %get3A_131 = arith.constant 0 : index
    %get3A_132 = vector.load %arg6[%get3A_130, %get3A_131] : memref<128x128xf32, #tpu.memory_space<vmem>>, vector<128x128xf32>
    %dot_general3A_133 = arith.constant dense<0.000000e+00> : vector<1024x128xf32>
    %dot_general3A_134 = tpu.matmul %get3A_129, %get3A_132, %dot_general3A_133 {dimension_numbers = #tpu.dot_dimension_numbers<[1], [0], [0], [1], [0, 0, 1, 1], [], []>, transpose_lhs_hint = false} : vector<1024x128xf32>, vector<128x128xf32>, vector<1024x128xf32> -> vector<1024x128xf32>
    %get3A_135 = arith.constant 0 : index
    %get3A_136 = arith.constant 0 : index
    %get3A_137 = vector.load %arg7[%get3A_135, %get3A_136] : memref<1x128xf32, #tpu.memory_space<vmem>>, vector<1x128xf32>
    %add3A_138 = vector.broadcast %get3A_137 : vector<1x128xf32> to vector<1024x128xf32>
    %add3A_139 = arith.addf %dot_general3A_134, %add3A_138 : vector<1024x128xf32>
    %max3A_140 = arith.constant 0.000000e+00 : f32
    %max3A_141 = vector.broadcast %max3A_140 : f32 to vector<1024x128xf32>
    %max3A_142 = arith.maximumf %add3A_139, %max3A_141 : vector<1024x128xf32>
    %add3A_143 = arith.addf %add3A_124, %max3A_142 : vector<1024x128xf32>
    %get3A_144 = arith.constant 7 : index
    %get3A_145 = arith.constant 0 : index
    %get3A_146 = arith.constant 0 : index
    %get3A_147 = vector.load %arg1[%get3A_144, %get3A_145, %get3A_146] : memref<10x1024x128xf32, #tpu.memory_space<vmem>>, vector<1x1024x128xf32>
    %get3A_148 = vector.shape_cast %get3A_147 : vector<1x1024x128xf32> to vector<1024x128xf32>
    %get3A_149 = arith.constant 0 : index
    %get3A_150 = arith.constant 0 : index
    %get3A_151 = vector.load %arg6[%get3A_149, %get3A_150] : memref<128x128xf32, #tpu.memory_space<vmem>>, vector<128x128xf32>
    %dot_general3A_152 = arith.constant dense<0.000000e+00> : vector<1024x128xf32>
    %dot_general3A_153 = tpu.matmul %get3A_148, %get3A_151, %dot_general3A_152 {dimension_numbers = #tpu.dot_dimension_numbers<[1], [0], [0], [1], [0, 0, 1, 1], [], []>, transpose_lhs_hint = false} : vector<1024x128xf32>, vector<128x128xf32>, vector<1024x128xf32> -> vector<1024x128xf32>
    %get3A_154 = arith.constant 0 : index
    %get3A_155 = arith.constant 0 : index
    %get3A_156 = vector.load %arg7[%get3A_154, %get3A_155] : memref<1x128xf32, #tpu.memory_space<vmem>>, vector<1x128xf32>
    %add3A_157 = vector.broadcast %get3A_156 : vector<1x128xf32> to vector<1024x128xf32>
    %add3A_158 = arith.addf %dot_general3A_153, %add3A_157 : vector<1024x128xf32>
    %max3A_159 = arith.constant 0.000000e+00 : f32
    %max3A_160 = vector.broadcast %max3A_159 : f32 to vector<1024x128xf32>
    %max3A_161 = arith.maximumf %add3A_158, %max3A_160 : vector<1024x128xf32>
    %add3A_162 = arith.addf %add3A_143, %max3A_161 : vector<1024x128xf32>
    %get3A_163 = arith.constant 8 : index
    %get3A_164 = arith.constant 0 : index
    %get3A_165 = arith.constant 0 : index
    %get3A_166 = vector.load %arg1[%get3A_163, %get3A_164, %get3A_165] : memref<10x1024x128xf32, #tpu.memory_space<vmem>>, vector<1x1024x128xf32>
    %get3A_167 = vector.shape_cast %get3A_166 : vector<1x1024x128xf32> to vector<1024x128xf32>
    %get3A_168 = arith.constant 0 : index
    %get3A_169 = arith.constant 0 : index
    %get3A_170 = vector.load %arg6[%get3A_168, %get3A_169] : memref<128x128xf32, #tpu.memory_space<vmem>>, vector<128x128xf32>
    %dot_general3A_171 = arith.constant dense<0.000000e+00> : vector<1024x128xf32>
    %dot_general3A_172 = tpu.matmul %get3A_167, %get3A_170, %dot_general3A_171 {dimension_numbers = #tpu.dot_dimension_numbers<[1], [0], [0], [1], [0, 0, 1, 1], [], []>, transpose_lhs_hint = false} : vector<1024x128xf32>, vector<128x128xf32>, vector<1024x128xf32> -> vector<1024x128xf32>
    %get3A_173 = arith.constant 0 : index
    %get3A_174 = arith.constant 0 : index
    %get3A_175 = vector.load %arg7[%get3A_173, %get3A_174] : memref<1x128xf32, #tpu.memory_space<vmem>>, vector<1x128xf32>
    %add3A_176 = vector.broadcast %get3A_175 : vector<1x128xf32> to vector<1024x128xf32>
    %add3A_177 = arith.addf %dot_general3A_172, %add3A_176 : vector<1024x128xf32>
    %max3A_178 = arith.constant 0.000000e+00 : f32
    %max3A_179 = vector.broadcast %max3A_178 : f32 to vector<1024x128xf32>
    %max3A_180 = arith.maximumf %add3A_177, %max3A_179 : vector<1024x128xf32>
    %add3A_181 = arith.addf %add3A_162, %max3A_180 : vector<1024x128xf32>
    %get3A_182 = arith.constant 9 : index
    %get3A_183 = arith.constant 0 : index
    %get3A_184 = arith.constant 0 : index
    %get3A_185 = vector.load %arg1[%get3A_182, %get3A_183, %get3A_184] : memref<10x1024x128xf32, #tpu.memory_space<vmem>>, vector<1x1024x128xf32>
    %get3A_186 = vector.shape_cast %get3A_185 : vector<1x1024x128xf32> to vector<1024x128xf32>
    %get3A_187 = arith.constant 0 : index
    %get3A_188 = arith.constant 0 : index
    %get3A_189 = vector.load %arg6[%get3A_187, %get3A_188] : memref<128x128xf32, #tpu.memory_space<vmem>>, vector<128x128xf32>
    %dot_general3A_190 = arith.constant dense<0.000000e+00> : vector<1024x128xf32>
    %dot_general3A_191 = tpu.matmul %get3A_186, %get3A_189, %dot_general3A_190 {dimension_numbers = #tpu.dot_dimension_numbers<[1], [0], [0], [1], [0, 0, 1, 1], [], []>, transpose_lhs_hint = false} : vector<1024x128xf32>, vector<128x128xf32>, vector<1024x128xf32> -> vector<1024x128xf32>
    %get3A_192 = arith.constant 0 : index
    %get3A_193 = arith.constant 0 : index
    %get3A_194 = vector.load %arg7[%get3A_192, %get3A_193] : memref<1x128xf32, #tpu.memory_space<vmem>>, vector<1x128xf32>
    %add3A_195 = vector.broadcast %get3A_194 : vector<1x128xf32> to vector<1024x128xf32>
    %add3A_196 = arith.addf %dot_general3A_191, %add3A_195 : vector<1024x128xf32>
    %max3A_197 = arith.constant 0.000000e+00 : f32
    %max3A_198 = vector.broadcast %max3A_197 : f32 to vector<1024x128xf32>
    %max3A_199 = arith.maximumf %add3A_196, %max3A_198 : vector<1024x128xf32>
    %add3A_200 = arith.addf %add3A_181, %max3A_199 : vector<1024x128xf32>
    %mul3A = arith.constant 1.000000e-01 : f32
    %mul3A_201 = vector.broadcast %mul3A : f32 to vector<1024x128xf32>
    %mul3A_202 = arith.mulf %add3A_200, %mul3A_201 : vector<1024x128xf32>
    %add3A_203 = arith.addf %max3A_11, %mul3A_202 : vector<1024x128xf32>
    %get3A_204 = arith.constant 0 : index
    %get3A_205 = arith.constant 0 : index
    %get3A_206 = vector.load %arg13[%get3A_204, %get3A_205] : memref<128x128xf32, #tpu.memory_space<vmem>>, vector<128x128xf32>
    %dot_general3A_207 = arith.constant dense<0.000000e+00> : vector<1024x128xf32>
    %dot_general3A_208 = tpu.matmul %add3A_203, %get3A_206, %dot_general3A_207 {dimension_numbers = #tpu.dot_dimension_numbers<[1], [0], [0], [1], [0, 0, 1, 1], [], []>, transpose_lhs_hint = false} : vector<1024x128xf32>, vector<128x128xf32>, vector<1024x128xf32> -> vector<1024x128xf32>
    %get3A_209 = arith.constant 0 : index
    %get3A_210 = arith.constant 0 : index
    %get3A_211 = vector.load %arg14[%get3A_209, %get3A_210] : memref<1x128xf32, #tpu.memory_space<vmem>>, vector<1x128xf32>
    %add3A_212 = vector.broadcast %get3A_211 : vector<1x128xf32> to vector<1024x128xf32>
    %add3A_213 = arith.addf %dot_general3A_208, %add3A_212 : vector<1024x128xf32>
    %swap3A = arith.constant 0 : index
    %swap3A_214 = arith.constant 0 : index
    %swap3A_215 = vector.load %arg16[%swap3A, %swap3A_214] : memref<1024x128xf32, #tpu.memory_space<vmem>>, vector<1024x128xf32>
    tpu.vector_store %arg16[%swap3A, %swap3A_214], %add3A_213 {strides = array<i32>} : memref<1024x128xf32, #tpu.memory_space<vmem>>, vector<1024x128xf32>,
    %get3A_216 = arith.constant 0 : index
    %get3A_217 = arith.constant 0 : index
    %get3A_218 = vector.load %arg2[%get3A_216, %get3A_217] : memref<1024x128xf32, #tpu.memory_space<vmem>>, vector<1024x128xf32>
    %get3A_219 = arith.constant 0 : index
    %get3A_220 = arith.constant 0 : index
    %get3A_221 = vector.load %arg8[%get3A_219, %get3A_220] : memref<128x128xf32, #tpu.memory_space<vmem>>, vector<128x128xf32>
    %dot_general3A_222 = arith.constant dense<0.000000e+00> : vector<1024x128xf32>
    %dot_general3A_223 = tpu.matmul %get3A_218, %get3A_221, %dot_general3A_222 {dimension_numbers = #tpu.dot_dimension_numbers<[1], [0], [0], [1], [0, 0, 1, 1], [], []>, transpose_lhs_hint = false} : vector<1024x128xf32>, vector<128x128xf32>, vector<1024x128xf32> -> vector<1024x128xf32>
    %get3A_224 = arith.constant 0 : index
    %get3A_225 = arith.constant 0 : index
    %get3A_226 = vector.load %arg2[%get3A_224, %get3A_225] : memref<1024x128xf32, #tpu.memory_space<vmem>>, vector<1024x128xf32>
    %get3A_227 = arith.constant 0 : index
    %get3A_228 = arith.constant 0 : index
    %get3A_229 = vector.load %arg9[%get3A_227, %get3A_228] : memref<128x128xf32, #tpu.memory_space<vmem>>, vector<128x128xf32>
    %dot_general3A_230 = arith.constant dense<0.000000e+00> : vector<1024x128xf32>
    %dot_general3A_231 = tpu.matmul %get3A_226, %get3A_229, %dot_general3A_230 {dimension_numbers = #tpu.dot_dimension_numbers<[1], [0], [0], [1], [0, 0, 1, 1], [], []>, transpose_lhs_hint = false} : vector<1024x128xf32>, vector<128x128xf32>, vector<1024x128xf32> -> vector<1024x128xf32>
    %get3A_232 = arith.constant 0 : index
    %get3A_233 = arith.constant 0 : index
    %get3A_234 = vector.load %arg3[%get3A_232, %get3A_233] : memref<1024x1xf32, #tpu.memory_space<vmem>>, vector<1024x1xf32>
    %sub3A = arith.subf %dot_general3A_231, %dot_general3A_223 : vector<1024x128xf32>
    %mul3A_235 = vector.broadcast %get3A_234 : vector<1024x1xf32> to vector<1024x128xf32>
    %mul3A_236 = arith.mulf %mul3A_235, %sub3A : vector<1024x128xf32>
    %add3A_237 = arith.addf %dot_general3A_223, %mul3A_236 : vector<1024x128xf32>
    %get3A_238 = arith.constant 0 : index
    %get3A_239 = arith.constant 0 : index
    %get3A_240 = vector.load %arg10[%get3A_238, %get3A_239] : memref<1x128xf32, #tpu.memory_space<vmem>>, vector<1x128xf32>
    %add3A_241 = vector.broadcast %get3A_240 : vector<1x128xf32> to vector<1024x128xf32>
    %add3A_242 = arith.addf %add3A_237, %add3A_241 : vector<1024x128xf32>
    %max3A_243 = arith.constant 0.000000e+00 : f32
    %max3A_244 = vector.broadcast %max3A_243 : f32 to vector<1024x128xf32>
    %max3A_245 = arith.maximumf %add3A_242, %max3A_244 : vector<1024x128xf32>
    %get3A_246 = arith.constant 0 : index
    %get3A_247 = arith.constant 0 : index
    %get3A_248 = vector.load %arg11[%get3A_246, %get3A_247] : memref<128x64xf32, #tpu.memory_space<vmem>>, vector<128x64xf32>
    %dot_general3A_249 = arith.constant dense<0.000000e+00> : vector<1024x64xf32>
    %dot_general3A_250 = tpu.matmul %max3A_245, %get3A_248, %dot_general3A_249 {dimension_numbers = #tpu.dot_dimension_numbers<[1], [0], [0], [1], [0, 0, 1, 1], [], []>, transpose_lhs_hint = false} : vector<1024x128xf32>, vector<128x64xf32>, vector<1024x64xf32> -> vector<1024x64xf32>
    %get3A_251 = arith.constant 0 : index
    %get3A_252 = arith.constant 0 : index
    %get3A_253 = vector.load %arg12[%get3A_251, %get3A_252] : memref<1x64xf32, #tpu.memory_space<vmem>>, vector<1x64xf32>
    %add3A_254 = vector.broadcast %get3A_253 : vector<1x64xf32> to vector<1024x64xf32>
    %add3A_255 = arith.addf %dot_general3A_250, %add3A_254 : vector<1024x64xf32>
    %tanh3A = math.tanh %add3A_255 : vector<1024x64xf32>
    %swap3A_256 = arith.constant 0 : index
    %swap3A_257 = arith.constant 0 : index
    %swap3A_258 = vector.load %arg15[%swap3A_256, %swap3A_257] : memref<1024x64xf32, #tpu.memory_space<vmem>>, vector<1024x64xf32>
    tpu.vector_store %arg15[%swap3A_256, %swap3A_257], %tanh3A {strides = array<i32>} : memref<1024x64xf32, #tpu.memory_space<vmem>>, vector<1024x64xf32>,
    return
  }
}

module attributes {stable_mosaic.version = 14 : i64} {
  func.func @_proj_body(%arg0: i32, %arg1: memref<1024x128xf32, #tpu.memory_space<vmem>>, %arg2: memref<1024x128xf32, #tpu.memory_space<vmem>>, %arg3: memref<1024x1xf32, #tpu.memory_space<vmem>>, %arg4: memref<128x128xf32, #tpu.memory_space<vmem>>, %arg5: memref<128x128xf32, #tpu.memory_space<vmem>>, %arg6: memref<1024x128xf32, #tpu.memory_space<vmem>>) attributes {dimension_semantics = [#tpu.dimension_semantics<arbitrary>], iteration_bounds = array<i64: 8>, scalar_prefetch = 0 : i64, scratch_operands = 0 : i64, tpu.core_type = #tpu.core_type<tc>, window_params = [{pipeline_mode = #tpu.pipeline_mode<synchronous>, transform_indices = @transform_0, window_bounds = array<i64: 1024, 128>}, {transform_indices = @transform_1, window_bounds = array<i64: 1024, 128>}, {transform_indices = @transform_2, window_bounds = array<i64: 1024, 1>}, {pipeline_mode = #tpu.pipeline_mode<synchronous>, transform_indices = @transform_3, window_bounds = array<i64: 128, 128>}, {pipeline_mode = #tpu.pipeline_mode<synchronous>, transform_indices = @transform_4, window_bounds = array<i64: 128, 128>}, {transform_indices = @transform_5, window_bounds = array<i64: 1024, 128>}]} {
    %get3A = arith.constant 0 : index
    %get3A_0 = arith.constant 0 : index
    %get3A_1 = vector.load %arg2[%get3A, %get3A_0] : memref<1024x128xf32, #tpu.memory_space<vmem>>, vector<1024x128xf32>
    %get3A_2 = arith.constant 0 : index
    %get3A_3 = arith.constant 0 : index
    %get3A_4 = vector.load %arg4[%get3A_2, %get3A_3] : memref<128x128xf32, #tpu.memory_space<vmem>>, vector<128x128xf32>
    %dot_general3A = arith.constant dense<0.000000e+00> : vector<1024x128xf32>
    %dot_general3A_5 = tpu.matmul %get3A_1, %get3A_4, %dot_general3A {dimension_numbers = #tpu.dot_dimension_numbers<[1], [0], [0], [1], [0, 0, 1, 1], [], []>, transpose_lhs_hint = false} : vector<1024x128xf32>, vector<128x128xf32>, vector<1024x128xf32> -> vector<1024x128xf32>
    %get3A_6 = arith.constant 0 : index
    %get3A_7 = arith.constant 0 : index
    %get3A_8 = vector.load %arg2[%get3A_6, %get3A_7] : memref<1024x128xf32, #tpu.memory_space<vmem>>, vector<1024x128xf32>
    %get3A_9 = arith.constant 0 : index
    %get3A_10 = arith.constant 0 : index
    %get3A_11 = vector.load %arg5[%get3A_9, %get3A_10] : memref<128x128xf32, #tpu.memory_space<vmem>>, vector<128x128xf32>
    %dot_general3A_12 = arith.constant dense<0.000000e+00> : vector<1024x128xf32>
    %dot_general3A_13 = tpu.matmul %get3A_8, %get3A_11, %dot_general3A_12 {dimension_numbers = #tpu.dot_dimension_numbers<[1], [0], [0], [1], [0, 0, 1, 1], [], []>, transpose_lhs_hint = false} : vector<1024x128xf32>, vector<128x128xf32>, vector<1024x128xf32> -> vector<1024x128xf32>
    %get3A_14 = arith.constant 0 : index
    %get3A_15 = arith.constant 0 : index
    %get3A_16 = vector.load %arg1[%get3A_14, %get3A_15] : memref<1024x128xf32, #tpu.memory_space<vmem>>, vector<1024x128xf32>
    %add3A = arith.addf %get3A_16, %dot_general3A_5 : vector<1024x128xf32>
    %get3A_17 = arith.constant 0 : index
    %get3A_18 = arith.constant 0 : index
    %get3A_19 = vector.load %arg3[%get3A_17, %get3A_18] : memref<1024x1xf32, #tpu.memory_space<vmem>>, vector<1024x1xf32>
    %sub3A = arith.subf %dot_general3A_13, %dot_general3A_5 : vector<1024x128xf32>
    %mul3A = vector.broadcast %get3A_19 : vector<1024x1xf32> to vector<1024x128xf32>
    %mul3A_20 = arith.mulf %mul3A, %sub3A : vector<1024x128xf32>
    %add3A_21 = arith.addf %add3A, %mul3A_20 : vector<1024x128xf32>
    %tanh3A = math.tanh %add3A_21 : vector<1024x128xf32>
    %swap3A = arith.constant 0 : index
    %swap3A_22 = arith.constant 0 : index
    %swap3A_23 = vector.load %arg6[%swap3A, %swap3A_22] : memref<1024x128xf32, #tpu.memory_space<vmem>>, vector<1024x128xf32>
    tpu.vector_store %arg6[%swap3A, %swap3A_22], %tanh3A {strides = array<i32>} : memref<1024x128xf32, #tpu.memory_space<vmem>>, vector<1024x128xf32>,
    return
  }
  func.func @transform_0(%arg0: i32) -> (i32, i32) {
    %c0_i32 = arith.constant 0 : i32
    %c0_i32_0 = arith.constant 0 : i32
    %c0_i32_1 = arith.constant 0 : i32
    return %c0_i32, %c0_i32_0 : i32, i32
  }
  func.func @transform_1(%arg0: i32) -> (i32, i32) {
    %c0_i32 = arith.constant 0 : i32
    %c0_i32_0 = arith.constant 0 : i32
    return %arg0, %c0_i32 : i32, i32
  }
  func.func @transform_2(%arg0: i32) -> (i32, i32) {
    %c0_i32 = arith.constant 0 : i32
    %c0_i32_0 = arith.constant 0 : i32
    return %arg0, %c0_i32 : i32, i32
  }
  func.func @transform_3(%arg0: i32) -> (i32, i32) {
    %c0_i32 = arith.constant 0 : i32
    %c0_i32_0 = arith.constant 0 : i32
    %c0_i32_1 = arith.constant 0 : i32
    return %c0_i32, %c0_i32_0 : i32, i32
  }
  func.func @transform_4(%arg0: i32) -> (i32, i32) {
    %c0_i32 = arith.constant 0 : i32
    %c0_i32_0 = arith.constant 0 : i32
    %c0_i32_1 = arith.constant 0 : i32
    return %c0_i32, %c0_i32_0 : i32, i32
  }
  func.func @transform_5(%arg0: i32) -> (i32, i32) {
    %c0_i32 = arith.constant 0 : i32
    %c0_i32_0 = arith.constant 0 : i32
    return %arg0, %c0_i32 : i32, i32
  }
}

</mosaic_0001>

<sc_bundles>
// kernel: kernel.10.cloned.1.call-start
scs
__scs_entry_jumppad:
0x0: {  	(pc) =	sbr.rel $0x88, $3  }
0x1: {  	(tag) =	ssettag $0x0;
	lr =	simm.s32 $0x1  }
0x2: {  	[smem:$0x3F92] =	sst lr;
	_ =	strace $0xD0000000  }
0x3: {  	_ = 	snop  }
0x4: {  	_ = 	snop  }
0x5: {  	_ = 	snop  }
0x6: {  	_ = 	snop  }
0x7: {  	_ = 	snop  }
__scs_overlays_trampoline_lowered:
0x8: {  	[smem:$0x3FA1] =	sst s0  }
0x9: {  	[smem:$0x3FA2] =	sst s1  }
0xa: {  	[smem:$0x3FA3] =	sst s2  }
0xb: {  	[smem:$0x3FA4] =	sst s3  }
0xc: {  	[smem:$0x3FA5] =	sst s4  }
0xd: {  	[smem:$0x3FA6] =	sst s5  }
0xe: {  	[smem:$0x3FA7] =	sst s6  }
0xf: {  	[smem:$0x3FA8] =	sst s7  }
0x10: {  	[smem:$0x3FA9] =	sst s8  }
0x11: {  	[smem:$0x3FAA] =	sst s9;
	s0 =	simm.s32 @!p0 $0x0  }
0x12: {  	s1 =	sld [smem:$0x3F90];
	s0 =	simm.s32 @p0 $0x1  }
0x13: {  	[smem:$0x3FAB] =	sst s0;
	s0 =	simm.s32 @!p1 $0x0  }
0x14: {  	s2 =	sld [smem:$0x3F8F];
	s0 =	simm.s32 @p1 $0x1  }
0x15: {  	[smem:$0x3FAC] =	sst s0;
	s0 =	simm.s32 @!p2 $0x0  }
0x16: {  	s3 =	sld [smem:$0x3FDB];
	s0 =	simm.s32 @p2 $0x1  }
0x17: {  	s4 =	simm.s32 $0x1BF5;
	[smem:$0x3FAE] =	sst s0  }
0x18: {  	s0 =	sld [smem:$0x3F91];
	_ =	swait.ge [sflag:s4], $0x0  }
0x19: {  	s7 =	sld [smem:$0x3F92]  }
0x1a: {  	s8 =	sadd.s32 $0xFFFFE003, lr  }
0x1b: {  	s9 =	sadd.s32 $0xFFFFFEF7, lr;
	s5 =	simm.s32 $0xFFFFFFFF;
	p2 =	slt.u32 s8, $0xFFFFF086  }
0x1c: {  	p1 =	slt.u32 s9, $0xF7A;
	s5 =	simm.s32 @!p2 $0x0  }
0x1d: {  	s5 =	simm.s32 @p1 $0x1;
	p0 =	seq.s32 s7, s2  }
0x1e: {  	s7 =	smul.u32 @!p0 $0xF7A, s2;
	p2 =	seq.s32 @!p0 s5, $0x0  }
0x1f: {  	s9 =	smul.u32 $0xF7A, s1;
	s8 =	simm.s32 @!p0 $0x1BF5;
	p2 =	por !p2, p0  }
0x20: {  	[sflag:s8] =	ssyncset.s32 @!p0 $0xFFFFF086;
	s6 =	sadd.s32 @!p0 s3, s7;
	s7 =	simm.s32 @!p0 $0x108  }
0x21: {  	s3 =	sadd.s32 s3, s9;
	s6 =	sadd.s32 @!p0 $0x88, s6;
	s7 =	simm.s32 @p2 $0x1082  }
0x22: {  	[simem:s7], [sflag:s8] =	dma.local @!p0 [hbm:s6], $0xF7A  }
0x23: {  	s9 =	sor.u32 $0xD0000000, s2;
	s6 =	simm.s32 $0x108;
	_ =	swait.ge @!p0 [sflag:s8], $0x0  }
0x24: {  	s3 =	sadd.s32 $0x88, s3;
	s6 =	simm.s32 @!p1 $0x1082;
	[sflag:s4] =	ssyncset.s32 $0xFFFFF086  }
0x25: {  	[simem:s6], [sflag:s4] =	dma.local [hbm:s3], $0xF7A  }
0x26: {  	[smem:$0x3F92] =	sst s1;
	(tag) =	ssettag s2;
	_ =	strace s9  }
0x27: {  	s1 =	sld [smem:$0x3FA2]  }
0x28: {  	s2 =	sld [smem:$0x3FA3]  }
0x29: {  	s4 =	sld [smem:$0x3FA5]  }
0x2a: {  	p0 =	seq.s32 s5, $0x0;
	s5 =	sld [smem:$0x3FA6]  }
0x2b: {  	s6 =	sld [smem:$0x3FA7]  }
0x2c: {  	s7 =	sld [smem:$0x3FA8]  }
0x2d: {  	s3 =	simm.s32 $0x108;
	s8 =	sld [smem:$0x3FA9]  }
0x2e: {  	s3 =	simm.s32 @!p0 $0x1082;
	s9 =	sld [smem:$0x3FAA]  }
0x2f: {  	lr =	sadd.s32 s0, s3;
	s0 =	sld [smem:$0x3FA1]  }
0x30: {  	s3 =	sld [smem:$0x3FA4]  }
0x31: {  	[smem:$0x3FAD] =	sst s10  }
0x32: {  	s10 =	sld [smem:$0x3FAB];
	_ =	sdelay $0x3  }
0x33: {  	p0 =	seq.s32 s10, $0x1;
	s10 =	sld [smem:$0x3FAD];
	_ =	sdelay $0x3  }
0x34: {  	[smem:$0x3FAD] =	sst s10  }
0x35: {  	s10 =	sld [smem:$0x3FAC];
	_ =	sdelay $0x3  }
0x36: {  	p1 =	seq.s32 s10, $0x1;
	s10 =	sld [smem:$0x3FAD];
	_ =	sdelay $0x3  }
0x37: {  	[smem:$0x3FAD] =	sst s10  }
0x38: {  	s10 =	sld [smem:$0x3FAE]  }
0x39: {  	_ = 	snop;
	(pc) =	sbr.ind lr, $3  }
0x3a: {  	_ = 	snop  }
0x3b: {  	_ = 	snop  }
0x3c: {  	p2 =	seq.s32 s10, $0x1;
	s10 =	sld [smem:$0x3FAD]  }
0x3d: {  	_ =	shalt  }
0x3e: {  	_ =	shalt  }
0x3f: {  	_ =	shalt  }
0x40: {  	_ =	shalt  }
0x41: {  	_ =	shalt  }
0x42: {  	_ =	shalt  }
0x43: {  	_ =	shalt  }
0x44: {  	_ =	shalt  }
0x45: {  	_ =	shalt  }
0x46: {  	_ =	shalt  }
0x47: {  	_ =	shalt  }
0x48: {  	_ =	shalt  }
0x49: {  	_ =	shalt  }
0x4a: {  	_ =	shalt  }
0x4b: {  	_ =	shalt  }
0x4c: {  	_ =	shalt  }
0x4d: {  	_ =	shalt  }
0x4e: {  	_ =	shalt  }
0x4f: {  	_ =	shalt  }
0x50: {  	_ =	shalt  }
0x51: {  	_ =	shalt  }
0x52: {  	_ =	shalt  }
0x53: {  	_ =	shalt  }
0x54: {  	_ =	shalt  }
0x55: {  	_ =	shalt  }
0x56: {  	_ =	shalt  }
0x57: {  	_ =	shalt  }
0x58: {  	_ =	shalt  }
0x59: {  	_ =	shalt  }
0x5a: {  	_ =	shalt  }
0x5b: {  	_ =	shalt  }
0x5c: {  	_ =	shalt  }
0x5d: {  	_ =	shalt  }
0x5e: {  	_ =	shalt  }
0x5f: {  	_ =	shalt  }
0x60: {  	_ =	shalt  }
0x61: {  	_ =	shalt  }
0x62: {  	_ =	shalt  }
0x63: {  	_ =	shalt  }
0x64: {  	_ =	shalt  }
0x65: {  	_ =	shalt  }
0x66: {  	_ =	shalt  }
0x67: {  	_ =	shalt  }
0x68: {  	_ =	shalt  }
0x69: {  	_ =	shalt  }
0x6a: {  	_ =	shalt  }
0x6b: {  	_ =	shalt  }
0x6c: {  	_ =	shalt  }
0x6d: {  	_ =	shalt  }
0x6e: {  	_ =	shalt  }
0x6f: {  	_ =	shalt  }
0x70: {  	_ =	shalt  }
0x71: {  	_ =	shalt  }
0x72: {  	_ =	shalt  }
0x73: {  	_ =	shalt  }
0x74: {  	_ =	shalt  }
0x75: {  	_ =	shalt  }
0x76: {  	_ =	shalt  }
0x77: {  	_ =	shalt  }
0x78: {  	_ =	shalt  }
0x79: {  	_ =	shalt  }
0x7a: {  	_ =	shalt  }
0x7b: {  	_ =	shalt  }
0x7c: {  	_ =	shalt  }
0x7d: {  	_ =	shalt  }
0x7e: {  	_ =	shalt  }
0x7f: {  	_ =	shalt  }
0x80: {  	_ =	shalt  }
0x81: {  	_ =	shalt  }
0x82: {  	_ =	shalt  }
0x83: {  	_ =	shalt  }
0x84: {  	_ =	shalt  }
0x85: {  	_ =	shalt  }
0x86: {  	_ =	shalt  }
0x87: {  	_ =	shalt  }
.Lfunc_end0:
.L_simem_size_0:
called_computation.1_lowered:
.L_overlay_start_0:
0x88: {  	s2 =	sld [smem:$0x3FD9]  }
0x89: {  	s3 =	sld [smem:$0x3FFE];
	_ =	sdelay $0x1  }
0x8a: {  	s1 =	srdreg.scid  }
0x8b: {  	s0 =	sand.u32 $0x1, s1  }
0x8c: {  	s14 =	sshll.u32 s0, $0xA;
	s2 =	sadd.s32 s3, s2  }
0x8d: {  	s2 =	sadd.s32 s2, s14  }
0x8e: {  	[smem:$0x3FB9] =	sst s2  }
0x8f: {  	_ = 	snop  }
0x90: {  	s2 =	sld [smem:$0x3FD0];
	_ =	sdelay $0x2  }
0x91: {  	s15 =	simm.s32 $0xA;
	s4 =	simm.s32 $0x10  }
0x92: {  	[smem:s4], [sflag:s15] =	dma.local [hbm:s2], $0x1  }
0x93: {  	_ =	swait.eq [sflag:s15], $0x1  }
0x94: {  	[sflag:s15] =	ssyncset.done $0x0  }
0x95: {  	[sflag:s15] =	ssyncadd.s32 $0xFFFFFFFF  }
0x96: {  	s16 =	sld [smem:$0x10];
	(tm) =	ssettm $0x1  }
0x97: {  	s17 =	sld [smem:$0x3FFB];
	_ =	sdelay $0x3  }
0x98: {  	_ =	strace s17  }
0x99: {  	s3 =	sld [smem:$0x3FFC];
	_ =	sdelay $0x3  }
0x9a: {  	_ =	strace s3  }
0x9b: {  	s3 =	sld [smem:$0x3FFD];
	_ =	sdelay $0x3  }
0x9c: {  	_ =	strace s3  }
0x9d: {  	_ =	strace $0x8FFFFFFF  }
0x9e: {  	s18 =	sld [smem:$0x3FDB];
	_ =	sdelay $0x1  }
0x9f: {  	s19 =	simm.s32 $_scs_section_size  }
0xa0: {  	s5 =	simm.s32 $_size__tile_overlayer_lowered;
	s6 =	simm.s32 $_tile_overlayer_lowered  }
0xa1: {  	s22 =	simm.s32 $0x1BFF;
	s21 =	sshll.u32 s6, $0x1;
	s3 =	sadd.s32 s19, s18  }
0xa2: {  	s7 =	simm.s32 $0x0;
	s20 =	sshll.u32 s5, $0x1;
	s5 =	sadd.s32 s21, s3  }
0xa3: {  	[timem:s7], [sflag:s22] =	dma.local [hbm:s5], s20  }
0xa4: {  	_ =	swait.ge [sflag:s22], s20  }
0xa5: {  	s4 =	ssub.s32 $0x0, s20;
	[sflag:s22] =	ssyncset.done $0x0  }
0xa6: {  	[sflag:s22] =	ssyncadd.s32 s4;
	_ =	sdelay $0x1  }
0xa7: {  	s23 =	simm.s32 $0x1B8B  }
0xa8: {  	_ =	swait.ge [sflag:s23], $0x1  }
0xa9: {  	[sflag:s23] =	ssyncset.done $0x0  }
0xaa: {  	s25 =	simm.s32 $0x1B8E;
	s24 =	sld [smem:$0x3FFE];
	[sflag:s23] =	ssyncadd.s32 $0xFFFFFFFF  }
0xab: {  	s26 =	simm.s32 $execute0_lowered;
	[smem:$0x3FD2] =	sst s25  }
0xac: {  	s5 =	sshll.u32 s26, $0x1;
	_ =	strace $0x80000049;
	[dreg:$0x1] =	wrdreg $0xFFFFFFFF  }
0xad: {  	s28 =	simm.s32 $_size_execute0_lowered;
	s3 =	sadd.s32 s3, s5;
	[dreg:$0x0] =	wrdreg $0x0  }
0xae: {  	s5 =	sshll.u32 s28, $0x1;
	[dreg:$0x2] =	wrdreg s3  }
0xaf: {  	[dreg:$0x3] =	wrdreg s5  }
0xb0: {  	[dreg:$0x4] =	wrdreg $0xC0  }
0xb1: {  	_ =	task [dreg:s7], $0x5FFFF  }
0xb2: {  	[dreg:$0x1] =	wrdreg $0xFFFFFFFF  }
0xb3: {  	[dreg:$0x0] =	wrdreg $0x60  }
0xb4: {  	[dreg:$0x2] =	wrdreg s24  }
0xb5: {  	[dreg:$0x3] =	wrdreg s16  }
0xb6: {  	[dreg:$0x4] =	wrdreg $0x9  }
0xb7: {  	_ =	task.clear_ibuf [dreg:s7], $0x5FFFF;
	_ =	strace $0x90000049  }
0xb8: {  	s29 =	simm.s32 $0x9;
	_ =	strace $0x8000004B  }
0xb9: {  	_ =	swait.ge [sflag:s29], $0x1  }
0xba: {  	[sflag:s29] =	ssyncadd.s32 $0xFFFFFFFF  }
0xbb: {  	_ =	strace $0x9000004B  }
0xbc: {  	_ =	sfence  }
0xbd: {  	s30 =	sld [smem:$0x0];
	_ =	sdelay $0x2  }
0xbe: {  	s31 =	sshll.u32 s1, $0xD;
	s1 =	sshrl.u32 s1, $0x2  }
0xbf: {  	s3 =	sand.u32 $0x4000, s31;
	s1 =	sadd.s32 s1, s30  }
0xc0: {  	s0 =	sor.u32 s3, s0;
	s1 =	sshll.u32 s1, $0x11  }
0xc1: {  	s0 =	sor.u32 s1, s0  }
0xc2: {  	s0 =	sadd.s32 $0x8F2B, s0  }
0xc3: {  	[sflag:s0] =	ssyncadd.remote.s32 $0x1  }
0xc4: {  	_ =	sfence.sel $0xFFFF  }
0xc5: {  	[dreg:$0x0] =	wrdreg $0xFFFFFFFF;
	(pc) =	sbr.abs _section_cstart, $3  }
0xc6: {  	[dreg:$0x1] =	wrdreg $0xFFFFFFFF  }
0xc7: {  	_ =	task.clear_ibuf [dreg:s7], $0x2FFFF;
	_ =	strace $0x9FFFFFFF  }
0xc8: {  	(tm) =	ssettm $0x7FFFFFFF  }
0xc9: {  	_ =	shalt  }
tec
execute0_lowered:
.L_overlay_start_1:
0x0: {  	(tag) =	ssettag $0x1  }
0x1: {  	s1 =	srdreg.scid  }
0x2: {  	s0 =	stileid.u32;
	s6 =	sand.u32 $0x1, s1  }
0x3: {  	s5 =	rddreg [dreg:$0x0];
	s30 =	sshll.u32 s0, $0x9;
	s2 =	sshll.u32 s6, $0x8  }
0x4: {  	s8 =	rddreg [dreg:$0x1];
	s9 =	sor.u32 s2, s30  }
0x5: {  	s1 =	rddreg [dreg:$0x2];
	s2 =	simm.s32 $0x0;
	s3 =	sshrl.u32 s9, $0x3  }
0x6: {  	s10 =	ssub.s32 $0x2, s6;
	[smem:$0x7FF] =	sst s2;
	s3 =	sadd.s32 s3, s5  }
0x7: {  	_ =	strace $0x8000004A;
	s4 =	sadd.s32 $0x5600, s3;
	s3 =	simm.s32 $0x2  }
0x8: {  	[tilespmem:s2], [sflag:$0x2] =	stream.linear.gather [hbm4b:s4+s2], $0x100, $0x38;
	[tilespmem:$0x8100] =	vst v63  }
0x9: {  	s7 =	simm.s32 $0x1;
	s11 =	sshrl.u32 s10, $0x1;
	_ =	swait.ge [sflag:s3], $0x100  }
0xa: {  	s6 =	simm.s32 $0x100;
	s10 =	ssub.s32 s10, s11;
	[sflag:s3] =	ssyncset.done $0x0  }
0xb: {  	s5 =	sadd.s32 $0x24F600, s5;
	s31 =	smax.u32 s10, $0x1;
	[sflag:s3] =	ssyncadd.s32 $0xFFFFFF00  }
0xc: {  	[tilespmem:s6], [sflag:$0x1] =	stream.indirect.gather [hbm4b:s5+s6], $0x80, s2, s6, $0xb8;
	[tilespmem:$0x8100] =	vst v63  }
0xd: {  	p0 =	sne.s32 s31, $0x1;
	_ =	swait.ge [sflag:s7], $0x8000  }
.Ltmp0:
0xe: {  	s9 =	sshll.u32 s9, $0x4;
	[sflag:s7] =	ssyncset.done $0x0;
	(pc) =	sbr.rel @!p0 .LBB2_2-.Ltmp0, $4  }
0xf: {  	s8 =	sadd.s32 s8, s9;
	[sflag:s7] =	ssyncadd.s32 $0xFFFF8000  }
0x10: {  	[hbm4b:s8+s2] =	stream.linear.scatter [tilespmem:s6], [sflag:$0x2], $0x8000, $0x38;
	[tilespmem:$0x8100] =	vst v63  }
0x11: {  	_ =	swait.ge [sflag:s3], $0x8000  }
0x12: {  	s9 =	sadd.s32 $0xFFFFFFFF, s31;
	[sflag:s3] =	ssyncset.done $0x0  }
.LBB2_1:
0x13: {  	p0 =	sne.s32 s9, $0x1;
	s9 =	sadd.s32 $0xFFFFFFFF, s9;
	[sflag:s3] =	ssyncadd.s32 $0xFFFF8000  }
0x14: {  	[tilespmem:s2], [sflag:$0x2] =	stream.linear.gather [hbm4b:s4+s2], $0x100, $0x38;
	[tilespmem:$0x8100] =	vst v63  }
0x15: {  	_ =	swait.ge [sflag:s3], $0x100  }
0x16: {  	[sflag:s3] =	ssyncset.done $0x0  }
0x17: {  	[sflag:s3] =	ssyncadd.s32 $0xFFFFFF00  }
0x18: {  	[tilespmem:s6], [sflag:$0x1] =	stream.indirect.gather [hbm4b:s5+s6], $0x80, s2, s6, $0xb8;
	[tilespmem:$0x8100] =	vst v63  }
0x19: {  	_ =	swait.ge [sflag:s7], $0x8000  }
.Ltmp1:
0x1a: {  	[sflag:s7] =	ssyncset.done $0x0;
	(pc) =	sbr.rel @p0 .LBB2_1-.Ltmp1, $4  }
0x1b: {  	[sflag:s7] =	ssyncadd.s32 $0xFFFF8000  }
0x1c: {  	[hbm4b:s8+s2] =	stream.linear.scatter [tilespmem:s6], [sflag:$0x2], $0x8000, $0x38;
	[tilespmem:$0x8100] =	vst v63  }
0x1d: {  	_ =	swait.ge [sflag:s3], $0x8000  }
0x1e: {  	[sflag:s3] =	ssyncset.done $0x0  }
.LBB2_2:
0x1f: {  	[sflag:s3] =	ssyncadd.s32 $0xFFFF8000  }
0x20: {  	_ =	sfence.sel $0x180000  }
0x21: {  	[bflag:$0x0] =	sbarrier.arrive $0xFFFF  }
0x22: {  	p0 =	sne.s32 s0, $0x0;
	_ =	strace $0x9000004A  }
0x23: {  	s0 =	sadd.s32 @!p0 $0x100000, s1;
	[bflag:$0x2] =	sbarrier.arrive $0xFFFF  }
0x24: {  	[sflag:s0] =	ssyncadd.tile.s32 @!p0 $0x1;
	_ =	shalt  }
.Lfunc_end2:
_tile_overlayer_lowered:
.L_overlay_start_2:
0x25: {  	(tag) =	ssettag $0x2  }
0x26: {  	s0 =	rddreg [dreg:$0x0];
	s2 =	stileid.u32  }
0x27: {  	s1 =	rddreg [dreg:$0x1];
	p0 =	sne.s32 s2, $0x0  }
0x28: {  	s3 =	rddreg [dreg:$0x2];
	[bflag:$0x3] =	sbarrier.arrive $0xFFFF;
	s2 =	simm.s32 @!p0 $0x1C02  }
0x29: {  	[timem:s3], [sflag:s2] =	dma.local @!p0 [hbm:s0], s1  }
0x2a: {  	s0 =	simm.s32 @!p0 $0x2  }
0x2b: {  	_ =	swait.ge @!p0 [sflag:s0], s1  }
0x2c: {  	s1 =	ssub.s32 @!p0 $0x0, s1;
	[sflag:s0] =	ssyncset.done @!p0 $0x0  }
0x2d: {  	[sflag:s0] =	ssyncadd.s32 @!p0 s1  }
0x2e: {  	[bflag:$0x3] =	sbarrier.arrive $0xFFFF  }
0x2f: {  	_ =	shalt  }

// kernel: kernel.7.cloned.1.call-start
scs
__scs_entry_jumppad:
0x0: {  	(pc) =	sbr.rel $0x88, $3  }
0x1: {  	(tag) =	ssettag $0x0;
	lr =	simm.s32 $0x1  }
0x2: {  	[smem:$0x3F92] =	sst lr;
	_ =	strace $0xD0000000  }
0x3: {  	_ = 	snop  }
0x4: {  	_ = 	snop  }
0x5: {  	_ = 	snop  }
0x6: {  	_ = 	snop  }
0x7: {  	_ = 	snop  }
__scs_overlays_trampoline_lowered:
0x8: {  	[smem:$0x3FA1] =	sst s0  }
0x9: {  	[smem:$0x3FA2] =	sst s1  }
0xa: {  	[smem:$0x3FA3] =	sst s2  }
0xb: {  	[smem:$0x3FA4] =	sst s3  }
0xc: {  	[smem:$0x3FA5] =	sst s4  }
0xd: {  	[smem:$0x3FA6] =	sst s5  }
0xe: {  	[smem:$0x3FA7] =	sst s6  }
0xf: {  	[smem:$0x3FA8] =	sst s7  }
0x10: {  	[smem:$0x3FA9] =	sst s8  }
0x11: {  	[smem:$0x3FAA] =	sst s9;
	s0 =	simm.s32 @!p0 $0x0  }
0x12: {  	s1 =	sld [smem:$0x3F90];
	s0 =	simm.s32 @p0 $0x1  }
0x13: {  	[smem:$0x3FAB] =	sst s0;
	s0 =	simm.s32 @!p1 $0x0  }
0x14: {  	s2 =	sld [smem:$0x3F8F];
	s0 =	simm.s32 @p1 $0x1  }
0x15: {  	[smem:$0x3FAC] =	sst s0;
	s0 =	simm.s32 @!p2 $0x0  }
0x16: {  	s3 =	sld [smem:$0x3FDB];
	s0 =	simm.s32 @p2 $0x1  }
0x17: {  	s4 =	simm.s32 $0x1BF5;
	[smem:$0x3FAE] =	sst s0  }
0x18: {  	s0 =	sld [smem:$0x3F91];
	_ =	swait.ge [sflag:s4], $0x0  }
0x19: {  	s7 =	sld [smem:$0x3F92]  }
0x1a: {  	s8 =	sadd.s32 $0xFFFFE003, lr  }
0x1b: {  	s9 =	sadd.s32 $0xFFFFFEF7, lr;
	s5 =	simm.s32 $0xFFFFFFFF;
	p2 =	slt.u32 s8, $0xFFFFF086  }
0x1c: {  	p1 =	slt.u32 s9, $0xF7A;
	s5 =	simm.s32 @!p2 $0x0  }
0x1d: {  	s5 =	simm.s32 @p1 $0x1;
	p0 =	seq.s32 s7, s2  }
0x1e: {  	s7 =	smul.u32 @!p0 $0xF7A, s2;
	p2 =	seq.s32 @!p0 s5, $0x0  }
0x1f: {  	s9 =	smul.u32 $0xF7A, s1;
	s8 =	simm.s32 @!p0 $0x1BF5;
	p2 =	por !p2, p0  }
0x20: {  	[sflag:s8] =	ssyncset.s32 @!p0 $0xFFFFF086;
	s6 =	sadd.s32 @!p0 s3, s7;
	s7 =	simm.s32 @!p0 $0x108  }
0x21: {  	s3 =	sadd.s32 s3, s9;
	s6 =	sadd.s32 @!p0 $0x88, s6;
	s7 =	simm.s32 @p2 $0x1082  }
0x22: {  	[simem:s7], [sflag:s8] =	dma.local @!p0 [hbm:s6], $0xF7A  }
0x23: {  	s9 =	sor.u32 $0xD0000000, s2;
	s6 =	simm.s32 $0x108;
	_ =	swait.ge @!p0 [sflag:s8], $0x0  }
0x24: {  	s3 =	sadd.s32 $0x88, s3;
	s6 =	simm.s32 @!p1 $0x1082;
	[sflag:s4] =	ssyncset.s32 $0xFFFFF086  }
0x25: {  	[simem:s6], [sflag:s4] =	dma.local [hbm:s3], $0xF7A  }
0x26: {  	[smem:$0x3F92] =	sst s1;
	(tag) =	ssettag s2;
	_ =	strace s9  }
0x27: {  	s1 =	sld [smem:$0x3FA2]  }
0x28: {  	s2 =	sld [smem:$0x3FA3]  }
0x29: {  	s4 =	sld [smem:$0x3FA5]  }
0x2a: {  	p0 =	seq.s32 s5, $0x0;
	s5 =	sld [smem:$0x3FA6]  }
0x2b: {  	s6 =	sld [smem:$0x3FA7]  }
0x2c: {  	s7 =	sld [smem:$0x3FA8]  }
0x2d: {  	s3 =	simm.s32 $0x108;
	s8 =	sld [smem:$0x3FA9]  }
0x2e: {  	s3 =	simm.s32 @!p0 $0x1082;
	s9 =	sld [smem:$0x3FAA]  }
0x2f: {  	lr =	sadd.s32 s0, s3;
	s0 =	sld [smem:$0x3FA1]  }
0x30: {  	s3 =	sld [smem:$0x3FA4]  }
0x31: {  	[smem:$0x3FAD] =	sst s10  }
0x32: {  	s10 =	sld [smem:$0x3FAB];
	_ =	sdelay $0x3  }
0x33: {  	p0 =	seq.s32 s10, $0x1;
	s10 =	sld [smem:$0x3FAD];
	_ =	sdelay $0x3  }
0x34: {  	[smem:$0x3FAD] =	sst s10  }
0x35: {  	s10 =	sld [smem:$0x3FAC];
	_ =	sdelay $0x3  }
0x36: {  	p1 =	seq.s32 s10, $0x1;
	s10 =	sld [smem:$0x3FAD];
	_ =	sdelay $0x3  }
0x37: {  	[smem:$0x3FAD] =	sst s10  }
0x38: {  	s10 =	sld [smem:$0x3FAE]  }
0x39: {  	_ = 	snop;
	(pc) =	sbr.ind lr, $3  }
0x3a: {  	_ = 	snop  }
0x3b: {  	_ = 	snop  }
0x3c: {  	p2 =	seq.s32 s10, $0x1;
	s10 =	sld [smem:$0x3FAD]  }
0x3d: {  	_ =	shalt  }
0x3e: {  	_ =	shalt  }
0x3f: {  	_ =	shalt  }
0x40: {  	_ =	shalt  }
0x41: {  	_ =	shalt  }
0x42: {  	_ =	shalt  }
0x43: {  	_ =	shalt  }
0x44: {  	_ =	shalt  }
0x45: {  	_ =	shalt  }
0x46: {  	_ =	shalt  }
0x47: {  	_ =	shalt  }
0x48: {  	_ =	shalt  }
0x49: {  	_ =	shalt  }
0x4a: {  	_ =	shalt  }
0x4b: {  	_ =	shalt  }
0x4c: {  	_ =	shalt  }
0x4d: {  	_ =	shalt  }
0x4e: {  	_ =	shalt  }
0x4f: {  	_ =	shalt  }
0x50: {  	_ =	shalt  }
0x51: {  	_ =	shalt  }
0x52: {  	_ =	shalt  }
0x53: {  	_ =	shalt  }
0x54: {  	_ =	shalt  }
0x55: {  	_ =	shalt  }
0x56: {  	_ =	shalt  }
0x57: {  	_ =	shalt  }
0x58: {  	_ =	shalt  }
0x59: {  	_ =	shalt  }
0x5a: {  	_ =	shalt  }
0x5b: {  	_ =	shalt  }
0x5c: {  	_ =	shalt  }
0x5d: {  	_ =	shalt  }
0x5e: {  	_ =	shalt  }
0x5f: {  	_ =	shalt  }
0x60: {  	_ =	shalt  }
0x61: {  	_ =	shalt  }
0x62: {  	_ =	shalt  }
0x63: {  	_ =	shalt  }
0x64: {  	_ =	shalt  }
0x65: {  	_ =	shalt  }
0x66: {  	_ =	shalt  }
0x67: {  	_ =	shalt  }
0x68: {  	_ =	shalt  }
0x69: {  	_ =	shalt  }
0x6a: {  	_ =	shalt  }
0x6b: {  	_ =	shalt  }
0x6c: {  	_ =	shalt  }
0x6d: {  	_ =	shalt  }
0x6e: {  	_ =	shalt  }
0x6f: {  	_ =	shalt  }
0x70: {  	_ =	shalt  }
0x71: {  	_ =	shalt  }
0x72: {  	_ =	shalt  }
0x73: {  	_ =	shalt  }
0x74: {  	_ =	shalt  }
0x75: {  	_ =	shalt  }
0x76: {  	_ =	shalt  }
0x77: {  	_ =	shalt  }
0x78: {  	_ =	shalt  }
0x79: {  	_ =	shalt  }
0x7a: {  	_ =	shalt  }
0x7b: {  	_ =	shalt  }
0x7c: {  	_ =	shalt  }
0x7d: {  	_ =	shalt  }
0x7e: {  	_ =	shalt  }
0x7f: {  	_ =	shalt  }
0x80: {  	_ =	shalt  }
0x81: {  	_ =	shalt  }
0x82: {  	_ =	shalt  }
0x83: {  	_ =	shalt  }
0x84: {  	_ =	shalt  }
0x85: {  	_ =	shalt  }
0x86: {  	_ =	shalt  }
0x87: {  	_ =	shalt  }
.Lfunc_end0:
.L_simem_size_0:
called_computation_lowered:
.L_overlay_start_0:
0x88: {  	s2 =	sld [smem:$0x3FD9]  }
0x89: {  	s3 =	sld [smem:$0x3FFE];
	_ =	sdelay $0x1  }
0x8a: {  	s1 =	srdreg.scid  }
0x8b: {  	s0 =	sand.u32 $0x1, s1  }
0x8c: {  	s14 =	sshll.u32 s0, $0xA;
	s2 =	sadd.s32 s3, s2  }
0x8d: {  	s2 =	sadd.s32 s2, s14  }
0x8e: {  	[smem:$0x3FB9] =	sst s2  }
0x8f: {  	_ = 	snop  }
0x90: {  	s2 =	sld [smem:$0x3FD0];
	_ =	sdelay $0x2  }
0x91: {  	s15 =	simm.s32 $0xA;
	s4 =	simm.s32 $0x10  }
0x92: {  	[smem:s4], [sflag:s15] =	dma.local [hbm:s2], $0x1  }
0x93: {  	_ =	swait.eq [sflag:s15], $0x1  }
0x94: {  	[sflag:s15] =	ssyncset.done $0x0  }
0x95: {  	s16 =	sld [smem:$0x10];
	[sflag:s15] =	ssyncadd.s32 $0xFFFFFFFF  }
0x96: {  	s17 =	sld [smem:$0x12];
	(tm) =	ssettm $0x1  }
0x97: {  	s18 =	sld [smem:$0x3FFB];
	_ =	sdelay $0x3  }
0x98: {  	_ =	strace s18  }
0x99: {  	s4 =	sld [smem:$0x3FFC];
	_ =	sdelay $0x3  }
0x9a: {  	_ =	strace s4  }
0x9b: {  	s4 =	sld [smem:$0x3FFD];
	_ =	sdelay $0x3  }
0x9c: {  	_ =	strace s4  }
0x9d: {  	_ =	strace $0x8FFFFFFF  }
0x9e: {  	s19 =	sld [smem:$0x3FDB];
	_ =	sdelay $0x1  }
0x9f: {  	s5 =	simm.s32 $_scs_section_size  }
0xa0: {  	s6 =	simm.s32 $_size__tile_overlayer_lowered;
	s7 =	simm.s32 $_tile_overlayer_lowered  }
0xa1: {  	s22 =	simm.s32 $0x1BFF;
	s21 =	sshll.u32 s7, $0x1;
	s4 =	sadd.s32 s5, s19  }
0xa2: {  	s8 =	simm.s32 $0x0;
	s20 =	sshll.u32 s6, $0x1;
	s6 =	sadd.s32 s21, s4  }
0xa3: {  	[timem:s8], [sflag:s22] =	dma.local [hbm:s6], s20  }
0xa4: {  	_ =	swait.ge [sflag:s22], s20  }
0xa5: {  	s5 =	ssub.s32 $0x0, s20;
	[sflag:s22] =	ssyncset.done $0x0  }
0xa6: {  	[sflag:s22] =	ssyncadd.s32 s5;
	_ =	sdelay $0x1  }
0xa7: {  	s23 =	simm.s32 $0x1B8B  }
0xa8: {  	_ =	swait.ge [sflag:s23], $0x1  }
0xa9: {  	[sflag:s23] =	ssyncset.done $0x0  }
0xaa: {  	s25 =	simm.s32 $0x1B8E;
	s24 =	sld [smem:$0x3FFE];
	[sflag:s23] =	ssyncadd.s32 $0xFFFFFFFF  }
0xab: {  	s26 =	simm.s32 $execute0_lowered;
	[smem:$0x3FD2] =	sst s25  }
0xac: {  	s6 =	sshll.u32 s26, $0x1;
	_ =	strace $0x80000046;
	[dreg:$0x1] =	wrdreg $0xFFFFFFFF  }
0xad: {  	s28 =	simm.s32 $_size_execute0_lowered;
	s4 =	sadd.s32 s4, s6;
	[dreg:$0x0] =	wrdreg $0x0  }
0xae: {  	s6 =	sshll.u32 s28, $0x1;
	[dreg:$0x2] =	wrdreg s4  }
0xaf: {  	[dreg:$0x3] =	wrdreg s6  }
0xb0: {  	[dreg:$0x4] =	wrdreg $0xC0  }
0xb1: {  	_ =	task [dreg:s8], $0x5FFFF  }
0xb2: {  	[dreg:$0x1] =	wrdreg $0xFFFFFFFF  }
0xb3: {  	[dreg:$0x0] =	wrdreg $0x60  }
0xb4: {  	[dreg:$0x2] =	wrdreg s24  }
0xb5: {  	[dreg:$0x3] =	wrdreg s17  }
0xb6: {  	[dreg:$0x4] =	wrdreg s16  }
0xb7: {  	[dreg:$0x5] =	wrdreg $0x9  }
0xb8: {  	_ =	task.clear_ibuf [dreg:s8], $0x6FFFF;
	_ =	strace $0x90000046  }
0xb9: {  	s29 =	simm.s32 $0x9;
	_ =	strace $0x80000048  }
0xba: {  	_ =	swait.ge [sflag:s29], $0x1  }
0xbb: {  	[sflag:s29] =	ssyncadd.s32 $0xFFFFFFFF  }
0xbc: {  	_ =	strace $0x90000048  }
0xbd: {  	_ =	sfence  }
0xbe: {  	s30 =	sld [smem:$0x0];
	_ =	sdelay $0x2  }
0xbf: {  	s31 =	sshll.u32 s1, $0xD;
	s1 =	sshrl.u32 s1, $0x2  }
0xc0: {  	s3 =	sand.u32 $0x4000, s31;
	s1 =	sadd.s32 s1, s30  }
0xc1: {  	s0 =	sor.u32 s3, s0;
	s1 =	sshll.u32 s1, $0x11  }
0xc2: {  	s0 =	sor.u32 s1, s0  }
0xc3: {  	s0 =	sadd.s32 $0x8F2B, s0  }
0xc4: {  	[sflag:s0] =	ssyncadd.remote.s32 $0x1  }
0xc5: {  	_ =	sfence.sel $0xFFFF  }
0xc6: {  	[dreg:$0x0] =	wrdreg $0xFFFFFFFF;
	(pc) =	sbr.abs _section_cstart, $3  }
0xc7: {  	[dreg:$0x1] =	wrdreg $0xFFFFFFFF  }
0xc8: {  	_ =	task.clear_ibuf [dreg:s8], $0x2FFFF;
	_ =	strace $0x9FFFFFFF  }
0xc9: {  	(tm) =	ssettm $0x7FFFFFFF  }
tec
execute0_lowered:
.L_overlay_start_1:
0x0: {  	(tag) =	ssettag $0x1  }
0x1: {  	s5 =	rddreg [dreg:$0x0]  }
0x2: {  	s1 =	srdreg.scid;
	s3 =	rddreg [dreg:$0x1]  }
0x3: {  	s0 =	stileid.u32;
	s9 =	rddreg [dreg:$0x2];
	s6 =	sand.u32 $0x1, s1  }
0x4: {  	s2 =	simm.s32 $0x0;
	s4 =	sshll.u32 s0, $0x6;
	s7 =	sshll.u32 s6, $0x5  }
0x5: {  	s8 =	simm.s32 $0x1;
	[smem:$0x7FF] =	sst s2;
	s10 =	sor.u32 s7, s4  }
0x6: {  	s1 =	rddreg [dreg:$0x3];
	_ =	strace $0x80000047;
	s4 =	sshrl.u32 s10, $0x3  }
0x7: {  	s11 =	ssub.s32 $0x2, s6;
	s4 =	sadd.s32 s3, s4;
	s3 =	simm.s32 $0x2  }
0x8: {  	[tilespmem:s2], [sflag:$0x2] =	stream.linear.gather [hbm4b:s4+s2], $0x20, $0x38;
	[tilespmem:$0x1080] =	vst v63  }
0x9: {  	s5 =	sadd.s32 $0x18C000, s5;
	s12 =	sshrl.u32 s11, $0x1;
	_ =	swait.ge [sflag:s3], $0x20  }
0xa: {  	s6 =	simm.s32 $0x20;
	s11 =	ssub.s32 s11, s12;
	[sflag:s3] =	ssyncset.done $0x0  }
0xb: {  	s7 =	simm.s32 $0x80;
	s31 =	smax.u32 s11, $0x1;
	[sflag:s3] =	ssyncadd.s32 $0xFFFFFFE0  }
0xc: {  	[tilespmem:s7], [sflag:$0x1] =	stream.indirect.gather [hbm4b:s5+s6], $0x80, s2, s6, $0xb8;
	[tilespmem:$0x1080] =	vst v63  }
0xd: {  	p0 =	sne.s32 s31, $0x1;
	_ =	swait.ge [sflag:s8], $0x1000  }
.Ltmp0:
0xe: {  	s10 =	sshll.u32 s10, $0x4;
	[sflag:s8] =	ssyncset.done $0x0;
	(pc) =	sbr.rel @!p0 .LBB2_2-.Ltmp0, $4  }
0xf: {  	s9 =	sadd.s32 s9, s10;
	[sflag:s8] =	ssyncadd.s32 $0xFFFFF000  }
0x10: {  	[hbm4b:s9+s2] =	stream.linear.scatter [tilespmem:s7], [sflag:$0x2], $0x1000, $0x38;
	[tilespmem:$0x1080] =	vst v63  }
0x11: {  	_ =	swait.ge [sflag:s3], $0x1000  }
0x12: {  	s10 =	sadd.s32 $0xFFFFFFFF, s31;
	[sflag:s3] =	ssyncset.done $0x0  }
.LBB2_1:
0x13: {  	p0 =	sne.s32 s10, $0x1;
	s10 =	sadd.s32 $0xFFFFFFFF, s10;
	[sflag:s3] =	ssyncadd.s32 $0xFFFFF000  }
0x14: {  	[tilespmem:s2], [sflag:$0x2] =	stream.linear.gather [hbm4b:s4+s2], $0x20, $0x38;
	[tilespmem:$0x1080] =	vst v63  }
0x15: {  	_ =	swait.ge [sflag:s3], $0x20  }
0x16: {  	[sflag:s3] =	ssyncset.done $0x0  }
0x17: {  	[sflag:s3] =	ssyncadd.s32 $0xFFFFFFE0  }
0x18: {  	[tilespmem:s7], [sflag:$0x1] =	stream.indirect.gather [hbm4b:s5+s6], $0x80, s2, s6, $0xb8;
	[tilespmem:$0x1080] =	vst v63  }
0x19: {  	_ =	swait.ge [sflag:s8], $0x1000  }
.Ltmp1:
0x1a: {  	[sflag:s8] =	ssyncset.done $0x0;
	(pc) =	sbr.rel @p0 .LBB2_1-.Ltmp1, $4  }
0x1b: {  	[sflag:s8] =	ssyncadd.s32 $0xFFFFF000  }
0x1c: {  	[hbm4b:s9+s2] =	stream.linear.scatter [tilespmem:s7], [sflag:$0x2], $0x1000, $0x38;
	[tilespmem:$0x1080] =	vst v63  }
0x1d: {  	_ =	swait.ge [sflag:s3], $0x1000  }
0x1e: {  	[sflag:s3] =	ssyncset.done $0x0  }
.LBB2_2:
0x1f: {  	[sflag:s3] =	ssyncadd.s32 $0xFFFFF000  }
0x20: {  	_ =	sfence.sel $0x180000  }
0x21: {  	[bflag:$0x0] =	sbarrier.arrive $0xFFFF  }
0x22: {  	p0 =	sne.s32 s0, $0x0;
	_ =	strace $0x90000047  }
0x23: {  	s0 =	sadd.s32 @!p0 $0x100000, s1;
	[bflag:$0x2] =	sbarrier.arrive $0xFFFF  }
0x24: {  	[sflag:s0] =	ssyncadd.tile.s32 @!p0 $0x1;
	_ =	shalt  }
.Lfunc_end2:
_tile_overlayer_lowered:
.L_overlay_start_2:
0x25: {  	(tag) =	ssettag $0x2  }
0x26: {  	s0 =	rddreg [dreg:$0x0];
	s2 =	stileid.u32  }
0x27: {  	s1 =	rddreg [dreg:$0x1];
	p0 =	sne.s32 s2, $0x0  }
0x28: {  	s3 =	rddreg [dreg:$0x2];
	[bflag:$0x3] =	sbarrier.arrive $0xFFFF;
	s2 =	simm.s32 @!p0 $0x1C02  }
0x29: {  	[timem:s3], [sflag:s2] =	dma.local @!p0 [hbm:s0], s1  }
0x2a: {  	s0 =	simm.s32 @!p0 $0x2  }
0x2b: {  	_ =	swait.ge @!p0 [sflag:s0], s1  }
0x2c: {  	s1 =	ssub.s32 @!p0 $0x0, s1;
	[sflag:s0] =	ssyncset.done @!p0 $0x0  }
0x2d: {  	[sflag:s0] =	ssyncadd.s32 @!p0 s1  }
0x2e: {  	[bflag:$0x3] =	sbarrier.arrive $0xFFFF  }
0x2f: {  	_ =	shalt  }

</sc_bundles>
